<compile_context>
chip_gen: v7x
topology: tpu7x:2x2x1
jax: 0.10.2.dev20260603
libtpu: 0.0.44.dev20260713+nightly
codegen_flags: <defaults>
</compile_context>

<pallas_src>
import functools

import jax
import jax.numpy as jnp
from jax import lax
from jax.experimental import pallas as pl
from jax.experimental.pallas import tpu as pltpu
from jax.experimental.pallas import tpu_sc as plsc

NUM_EMB = 8192
EMB_DIM = 1024

NC = 2
NS = 16
NW = NC * NS

B_TOTAL = 4 * 8192
R = B_TOTAL // NW
CHUNK = 8
NBUF = 8
NCHUNK = R // CHUNK
K_OUTER = NCHUNK // NBUF


def _emb_body(idx_hbm, table_hbm, out_hbm, idx_v, buf_v, gsem, ssem):
    wid = lax.axis_index("s") * NC + lax.axis_index("c")
    base = wid * R

    pltpu.sync_copy(idx_hbm.at[pl.ds(base, R)], idx_v)

    def gather_start(i, b):
        pltpu.async_copy(
            table_hbm.at[idx_v.at[pl.ds(i * CHUNK, CHUNK)]],
            buf_v.at[b],
            gsem.at[b],
        )

    def gather_wait(b):
        pltpu.make_async_copy(
            table_hbm.at[idx_v.at[pl.ds(0, CHUNK)]], buf_v.at[b], gsem.at[b]
        ).wait()

    def store_start(i, b):
        pltpu.async_copy(
            buf_v.at[b], out_hbm.at[pl.ds(base + i * CHUNK, CHUNK)], ssem.at[b]
        )

    def store_wait(b):
        pltpu.make_async_copy(
            buf_v.at[b], out_hbm.at[pl.ds(base, CHUNK)], ssem.at[b]
        ).wait()

    for b in range(NBUF // 2):
        gather_start(b, b)

    def outer(k, carry):
        for u in range(NBUF):
            i = k * NBUF + u
            gather_wait(u)
            store_start(i, u)
            lead = NBUF // 2
            if u >= lead:
                store_wait(u - lead)
                @pl.when(k < K_OUTER - 1)
                def _():
                    gather_start(i + lead, (u + lead) % NBUF)
            else:
                @pl.when(k > 0)
                def _():
                    store_wait((u + lead) % NBUF)
                gather_start(i + lead, u + lead)
        return carry

    lax.fori_loop(0, K_OUTER, outer, 0)

    for b in range(NBUF // 2, NBUF):
        store_wait(b)


@functools.partial(jax.jit, static_argnames=())
def _lookup(idx_flat, weights):
    mesh = plsc.VectorSubcoreMesh(core_axis_name="c", subcore_axis_name="s")
    return pl.kernel(
        _emb_body,
        out_type=jax.ShapeDtypeStruct((B_TOTAL, EMB_DIM), jnp.float32),
        mesh=mesh,
        scratch_types=[
            pltpu.VMEM((R,), jnp.int32),
            pltpu.VMEM((NBUF, CHUNK, EMB_DIM), jnp.float32),
            pltpu.SemaphoreType.DMA((NBUF,)),
            pltpu.SemaphoreType.DMA((NBUF,)),
        ],
    )(idx_flat, weights)


def kernel(position_ids, weights):
    batch, length = position_ids.shape
    out = _lookup(position_ids.reshape(-1), weights)
    return out.reshape(batch, length, EMB_DIM)

# --- scband reference (transcript-rebuilt; emitter-appended) ---
"""Pipeline reference for scband-positional-encoding-28587302322645 (READ-ONLY COPY).

The authoritative reference and input builder live on the scoring server;
editing this copy changes nothing except your own understanding.
"""

import jax, jax.numpy as jnp
import numpy as np
import math

NUM_EMB = 8192
EMB_DIM = 1024
CHUNKS = 1


def _build_weights():
    # Faithful replication of the torch __init__, including the fact that the
    # sin assignment is immediately overwritten by the cos assignment on the
    # identical slice (odd columns = cos, even columns stay zero).
    positions = np.arange(NUM_EMB)
    half_dim = EMB_DIM // (2 * CHUNKS)
    div_term = math.log(10000) / (half_dim - 1)
    div_term = np.exp(np.arange(half_dim).astype(np.float32) * -div_term)
    div = positions[:, None].astype(np.float32) * div_term[None]
    weights = np.zeros((NUM_EMB, EMB_DIM), dtype=np.float32)
    chunk_dim = EMB_DIM // CHUNKS
    for chunk_index in range(CHUNKS):
        weights[:, chunk_dim * chunk_index + 1:chunk_dim * (chunk_index + 1):2] = np.sin(div)
        weights[:, chunk_dim * chunk_index + 1:chunk_dim * (chunk_index + 1):2] = np.cos(div)
    return jnp.asarray(weights)


def setup_inputs(seed: int = 0) -> dict:
    key = jax.random.key(seed)
    position_ids = jax.random.randint(key, (4, 8192), 0, NUM_EMB, dtype=jnp.int32)
    return {"position_ids": position_ids, "weights": _build_weights()}


def reference(position_ids, weights):
    batch_size, length = position_ids.shape
    encodings = jnp.take(weights, position_ids.reshape(-1), axis=0)
    return encodings.reshape(batch_size, length, EMB_DIM)

if __name__ == "__main__":
    import jax
    _d = setup_inputs()
    print(jax.jit(kernel)(*tuple(_d.values())))

</pallas_src>

<mosaic_0001>
#map = affine_map<(d0, d1) -> (0)>
#map1 = affine_map<(d0, d1) -> (0, 0)>
module attributes {stable_mosaic.version = 14 : i64} {
  func.func @_emb_body(%arg0: i32, %arg1: i32, %arg2: memref<32768xi32, #tpu.memory_space<hbm>>, %arg3: memref<8192x1024xf32, #tpu.memory_space<hbm>>, %arg4: memref<32768x1024xf32, #tpu.memory_space<hbm>>, %arg5: memref<1024xi32, #tpu.memory_space<vmem>>, %arg6: memref<8x8x1024xf32, #tpu.memory_space<vmem>>, %arg7: memref<8x!tpu.dma_semaphore, #tpu.memory_space<semaphore_mem>>, %arg8: memref<8x!tpu.dma_semaphore, #tpu.memory_space<semaphore_mem>>) attributes {dimension_semantics = [#tpu.dimension_semantics<core_parallel>, #tpu.dimension_semantics<subcore_parallel>], iteration_bounds = array<i64: 2, 16>, scalar_prefetch = 0 : i64, scratch_operands = 4 : i64, tpu.core_type = #tpu.core_type<sc_vector_subcore>, window_params = [{transform_indices = #map}, {transform_indices = #map1}, {transform_indices = #map1}]} {
    %mul3A = arith.constant 2 : i32
    %mul3A_0 = arith.muli %arg1, %mul3A : i32
    %add3A = arith.addi %mul3A_0, %arg0 : i32
    %mul3A_1 = arith.constant 1024 : i32
    %mul3A_2 = arith.muli %add3A, %mul3A_1 : i32
    "tpu.region"() ({
      %run_scoped3A = tpu.sem_alloc : memref<!tpu.dma_semaphore, #tpu.memory_space<semaphore_mem>>
      %dma_start3A_122 = tpu.memref_slice %arg2[%mul3A_2] : memref<32768xi32, #tpu.memory_space<hbm>> -> memref<1024xi32, #tpu.memory_space<hbm>>
      %dma_start3A_123 = tpu.memref_slice %arg2[%mul3A_2] : memref<32768xi32, #tpu.memory_space<hbm>> -> memref<1024xi32, #tpu.memory_space<hbm>>
      tpu.enqueue_dma source(%dma_start3A_123 : memref<1024xi32, #tpu.memory_space<hbm>>) target(%arg5 : memref<1024xi32, #tpu.memory_space<vmem>>) target_semaphore(%run_scoped3A : memref<!tpu.dma_semaphore, #tpu.memory_space<semaphore_mem>>)
      %dma_wait3A_124 = tpu.memref_slice %arg2[%mul3A_2] : memref<32768xi32, #tpu.memory_space<hbm>> -> memref<1024xi32, #tpu.memory_space<hbm>>
      %dma_wait3A_125 = tpu.memref_slice %arg2[%mul3A_2] : memref<32768xi32, #tpu.memory_space<hbm>> -> memref<1024xi32, #tpu.memory_space<hbm>>
      tpu.wait_dma2 semaphore(%run_scoped3A : memref<!tpu.dma_semaphore, #tpu.memory_space<semaphore_mem>>) src(%dma_wait3A_125 : memref<1024xi32, #tpu.memory_space<hbm>>) dst(%arg5 : memref<1024xi32, #tpu.memory_space<vmem>>)
      tpu.yield
    }) : () -> ()
    %dma_start3A = arith.constant 0 : i32
    %dma_start3A_3 = arith.constant 0 : i32
    %dma_start3A_4 = arith.constant 0 : i32
    %dma_start3A_5 = arith.constant 0 : i32
    %dma_start3A_6 = tpu.memref_slice %arg6[%dma_start3A, %dma_start3A_4, %dma_start3A_5] : memref<8x8x1024xf32, #tpu.memory_space<vmem>> -> memref<1x8x1024xf32, #tpu.memory_space<vmem>>
    %dma_start3A_7 = tpu.memref_squeeze %dma_start3A_6 : memref<1x8x1024xf32, #tpu.memory_space<vmem>> -> memref<8x1024xf32, #tpu.memory_space<vmem>>
    %dma_start3A_8 = arith.constant 0 : i32
    %dma_start3A_9 = tpu.memref_slice %arg5[%dma_start3A_8] : memref<1024xi32, #tpu.memory_space<vmem>> -> memref<8xi32, #tpu.memory_space<vmem>>
    %dma_start3A_10 = arith.constant 0 : i32
    %dma_start3A_11 = arith.constant 0 : i32
    %dma_start3A_12 = tpu.memref_slice %arg3[%dma_start3A_10, %dma_start3A_11] : memref<8192x1024xf32, #tpu.memory_space<hbm>> -> memref<8192x1024xf32, #tpu.memory_space<hbm>>
    %dma_start3A_13 = tpu.memref_slice %arg7[%dma_start3A_3] : memref<8x!tpu.dma_semaphore, #tpu.memory_space<semaphore_mem>> -> memref<1x!tpu.dma_semaphore, #tpu.memory_space<semaphore_mem>>
    %dma_start3A_14 = tpu.memref_squeeze %dma_start3A_13 : memref<1x!tpu.dma_semaphore, #tpu.memory_space<semaphore_mem>> -> memref<!tpu.dma_semaphore, #tpu.memory_space<semaphore_mem>>
    tpu.enqueue_indirect_dma source(%dma_start3A_12 : memref<8192x1024xf32, #tpu.memory_space<hbm>>) target(%dma_start3A_7 : memref<8x1024xf32, #tpu.memory_space<vmem>>) offsets(%dma_start3A_9 : memref<8xi32, #tpu.memory_space<vmem>>) semaphore(%dma_start3A_14 : memref<!tpu.dma_semaphore, #tpu.memory_space<semaphore_mem>>)
    %dma_start3A_15 = arith.constant 1 : i32
    %dma_start3A_16 = arith.constant 1 : i32
    %dma_start3A_17 = arith.constant 0 : i32
    %dma_start3A_18 = arith.constant 0 : i32
    %dma_start3A_19 = tpu.memref_slice %arg6[%dma_start3A_15, %dma_start3A_17, %dma_start3A_18] : memref<8x8x1024xf32, #tpu.memory_space<vmem>> -> memref<1x8x1024xf32, #tpu.memory_space<vmem>>
    %dma_start3A_20 = tpu.memref_squeeze %dma_start3A_19 : memref<1x8x1024xf32, #tpu.memory_space<vmem>> -> memref<8x1024xf32, #tpu.memory_space<vmem>>
    %dma_start3A_21 = arith.constant 8 : i32
    %dma_start3A_22 = tpu.memref_slice %arg5[%dma_start3A_21] : memref<1024xi32, #tpu.memory_space<vmem>> -> memref<8xi32, #tpu.memory_space<vmem>>
    %dma_start3A_23 = arith.constant 0 : i32
    %dma_start3A_24 = arith.constant 0 : i32
    %dma_start3A_25 = tpu.memref_slice %arg3[%dma_start3A_23, %dma_start3A_24] : memref<8192x1024xf32, #tpu.memory_space<hbm>> -> memref<8192x1024xf32, #tpu.memory_space<hbm>>
    %dma_start3A_26 = tpu.memref_slice %arg7[%dma_start3A_16] : memref<8x!tpu.dma_semaphore, #tpu.memory_space<semaphore_mem>> -> memref<1x!tpu.dma_semaphore, #tpu.memory_space<semaphore_mem>>
    %dma_start3A_27 = tpu.memref_squeeze %dma_start3A_26 : memref<1x!tpu.dma_semaphore, #tpu.memory_space<semaphore_mem>> -> memref<!tpu.dma_semaphore, #tpu.memory_space<semaphore_mem>>
    tpu.enqueue_indirect_dma source(%dma_start3A_25 : memref<8192x1024xf32, #tpu.memory_space<hbm>>) target(%dma_start3A_20 : memref<8x1024xf32, #tpu.memory_space<vmem>>) offsets(%dma_start3A_22 : memref<8xi32, #tpu.memory_space<vmem>>) semaphore(%dma_start3A_27 : memref<!tpu.dma_semaphore, #tpu.memory_space<semaphore_mem>>)
    %dma_start3A_28 = arith.constant 2 : i32
    %dma_start3A_29 = arith.constant 2 : i32
    %dma_start3A_30 = arith.constant 0 : i32
    %dma_start3A_31 = arith.constant 0 : i32
    %dma_start3A_32 = tpu.memref_slice %arg6[%dma_start3A_28, %dma_start3A_30, %dma_start3A_31] : memref<8x8x1024xf32, #tpu.memory_space<vmem>> -> memref<1x8x1024xf32, #tpu.memory_space<vmem>>
    %dma_start3A_33 = tpu.memref_squeeze %dma_start3A_32 : memref<1x8x1024xf32, #tpu.memory_space<vmem>> -> memref<8x1024xf32, #tpu.memory_space<vmem>>
    %dma_start3A_34 = arith.constant 16 : i32
    %dma_start3A_35 = tpu.memref_slice %arg5[%dma_start3A_34] : memref<1024xi32, #tpu.memory_space<vmem>> -> memref<8xi32, #tpu.memory_space<vmem>>
    %dma_start3A_36 = arith.constant 0 : i32
    %dma_start3A_37 = arith.constant 0 : i32
    %dma_start3A_38 = tpu.memref_slice %arg3[%dma_start3A_36, %dma_start3A_37] : memref<8192x1024xf32, #tpu.memory_space<hbm>> -> memref<8192x1024xf32, #tpu.memory_space<hbm>>
    %dma_start3A_39 = tpu.memref_slice %arg7[%dma_start3A_29] : memref<8x!tpu.dma_semaphore, #tpu.memory_space<semaphore_mem>> -> memref<1x!tpu.dma_semaphore, #tpu.memory_space<semaphore_mem>>
    %dma_start3A_40 = tpu.memref_squeeze %dma_start3A_39 : memref<1x!tpu.dma_semaphore, #tpu.memory_space<semaphore_mem>> -> memref<!tpu.dma_semaphore, #tpu.memory_space<semaphore_mem>>
    tpu.enqueue_indirect_dma source(%dma_start3A_38 : memref<8192x1024xf32, #tpu.memory_space<hbm>>) target(%dma_start3A_33 : memref<8x1024xf32, #tpu.memory_space<vmem>>) offsets(%dma_start3A_35 : memref<8xi32, #tpu.memory_space<vmem>>) semaphore(%dma_start3A_40 : memref<!tpu.dma_semaphore, #tpu.memory_space<semaphore_mem>>)
    %dma_start3A_41 = arith.constant 3 : i32
    %dma_start3A_42 = arith.constant 3 : i32
    %dma_start3A_43 = arith.constant 0 : i32
    %dma_start3A_44 = arith.constant 0 : i32
    %dma_start3A_45 = tpu.memref_slice %arg6[%dma_start3A_41, %dma_start3A_43, %dma_start3A_44] : memref<8x8x1024xf32, #tpu.memory_space<vmem>> -> memref<1x8x1024xf32, #tpu.memory_space<vmem>>
    %dma_start3A_46 = tpu.memref_squeeze %dma_start3A_45 : memref<1x8x1024xf32, #tpu.memory_space<vmem>> -> memref<8x1024xf32, #tpu.memory_space<vmem>>
    %dma_start3A_47 = arith.constant 24 : i32
    %dma_start3A_48 = tpu.memref_slice %arg5[%dma_start3A_47] : memref<1024xi32, #tpu.memory_space<vmem>> -> memref<8xi32, #tpu.memory_space<vmem>>
    %dma_start3A_49 = arith.constant 0 : i32
    %dma_start3A_50 = arith.constant 0 : i32
    %dma_start3A_51 = tpu.memref_slice %arg3[%dma_start3A_49, %dma_start3A_50] : memref<8192x1024xf32, #tpu.memory_space<hbm>> -> memref<8192x1024xf32, #tpu.memory_space<hbm>>
    %dma_start3A_52 = tpu.memref_slice %arg7[%dma_start3A_42] : memref<8x!tpu.dma_semaphore, #tpu.memory_space<semaphore_mem>> -> memref<1x!tpu.dma_semaphore, #tpu.memory_space<semaphore_mem>>
    %dma_start3A_53 = tpu.memref_squeeze %dma_start3A_52 : memref<1x!tpu.dma_semaphore, #tpu.memory_space<semaphore_mem>> -> memref<!tpu.dma_semaphore, #tpu.memory_space<semaphore_mem>>
    tpu.enqueue_indirect_dma source(%dma_start3A_51 : memref<8192x1024xf32, #tpu.memory_space<hbm>>) target(%dma_start3A_46 : memref<8x1024xf32, #tpu.memory_space<vmem>>) offsets(%dma_start3A_48 : memref<8xi32, #tpu.memory_space<vmem>>) semaphore(%dma_start3A_53 : memref<!tpu.dma_semaphore, #tpu.memory_space<semaphore_mem>>)
    %scan3A = arith.constant 0 : i32
    %scan3A_54 = arith.constant 0 : i32
    %scan3A_55 = arith.constant 16 : i32
    %scan3A_56 = arith.addi %scan3A_54, %scan3A_55 : i32
    %scan3A_57 = arith.constant 1 : i32
    scf.for %scan3A_122 = %scan3A_54 to %scan3A_56 step %scan3A_57  : i32 {
      %mul3A_123 = arith.constant 8 : i32
      %mul3A_124 = arith.muli %scan3A_122, %mul3A_123 : i32
      %add3A_125 = arith.constant 0 : i32
      %add3A_126 = arith.addi %mul3A_124, %add3A_125 : i32
      %dma_wait3A_127 = arith.constant 0 : i32
      %dma_wait3A_128 = arith.constant 0 : i32
      %dma_wait3A_129 = arith.constant 0 : i32
      %dma_wait3A_130 = arith.constant 0 : i32
      %dma_wait3A_131 = tpu.memref_slice %arg6[%dma_wait3A_127, %dma_wait3A_129, %dma_wait3A_130] : memref<8x8x1024xf32, #tpu.memory_space<vmem>> -> memref<1x8x1024xf32, #tpu.memory_space<vmem>>
      %dma_wait3A_132 = tpu.memref_squeeze %dma_wait3A_131 : memref<1x8x1024xf32, #tpu.memory_space<vmem>> -> memref<8x1024xf32, #tpu.memory_space<vmem>>
      %dma_wait3A_133 = arith.constant 0 : i32
      %dma_wait3A_134 = tpu.memref_slice %arg5[%dma_wait3A_133] : memref<1024xi32, #tpu.memory_space<vmem>> -> memref<8xi32, #tpu.memory_space<vmem>>
      %dma_wait3A_135 = arith.constant 0 : i32
      %dma_wait3A_136 = arith.constant 0 : i32
      %dma_wait3A_137 = tpu.memref_slice %arg3[%dma_wait3A_135, %dma_wait3A_136] : memref<8192x1024xf32, #tpu.memory_space<hbm>> -> memref<8192x1024xf32, #tpu.memory_space<hbm>>
      %dma_wait3A_138 = tpu.memref_slice %arg7[%dma_wait3A_128] : memref<8x!tpu.dma_semaphore, #tpu.memory_space<semaphore_mem>> -> memref<1x!tpu.dma_semaphore, #tpu.memory_space<semaphore_mem>>
      %dma_wait3A_139 = tpu.memref_squeeze %dma_wait3A_138 : memref<1x!tpu.dma_semaphore, #tpu.memory_space<semaphore_mem>> -> memref<!tpu.dma_semaphore, #tpu.memory_space<semaphore_mem>>
      tpu.wait_indirect_dma semaphore(%dma_wait3A_139 : memref<!tpu.dma_semaphore, #tpu.memory_space<semaphore_mem>>) src(%dma_wait3A_137 : memref<8192x1024xf32, #tpu.memory_space<hbm>>) dst(%dma_wait3A_132 : memref<8x1024xf32, #tpu.memory_space<vmem>>)
      %mul3A_140 = arith.constant 8 : i32
      %mul3A_141 = arith.muli %add3A_126, %mul3A_140 : i32
      %add3A_142 = arith.addi %mul3A_2, %mul3A_141 : i32
      %dma_start3A_143 = arith.constant 0 : i32
      %dma_start3A_144 = arith.constant 0 : i32
      %dma_start3A_145 = arith.constant 0 : i32
      %dma_start3A_146 = arith.constant 0 : i32
      %dma_start3A_147 = tpu.memref_slice %arg6[%dma_start3A_143, %dma_start3A_145, %dma_start3A_146] : memref<8x8x1024xf32, #tpu.memory_space<vmem>> -> memref<1x8x1024xf32, #tpu.memory_space<vmem>>
      %dma_start3A_148 = tpu.memref_squeeze %dma_start3A_147 : memref<1x8x1024xf32, #tpu.memory_space<vmem>> -> memref<8x1024xf32, #tpu.memory_space<vmem>>
      %dma_start3A_149 = arith.constant 0 : i32
      %dma_start3A_150 = tpu.memref_slice %arg4[%add3A_142, %dma_start3A_149] : memref<32768x1024xf32, #tpu.memory_space<hbm>> -> memref<8x1024xf32, #tpu.memory_space<hbm>>
      %dma_start3A_151 = tpu.memref_slice %arg8[%dma_start3A_144] : memref<8x!tpu.dma_semaphore, #tpu.memory_space<semaphore_mem>> -> memref<1x!tpu.dma_semaphore, #tpu.memory_space<semaphore_mem>>
      %dma_start3A_152 = tpu.memref_squeeze %dma_start3A_151 : memref<1x!tpu.dma_semaphore, #tpu.memory_space<semaphore_mem>> -> memref<!tpu.dma_semaphore, #tpu.memory_space<semaphore_mem>>
      %dma_start3A_153 = arith.constant 0 : i32
      %dma_start3A_154 = tpu.memref_slice %arg4[%add3A_142, %dma_start3A_153] : memref<32768x1024xf32, #tpu.memory_space<hbm>> -> memref<8x1024xf32, #tpu.memory_space<hbm>>
      %dma_start3A_155 = arith.constant 0 : i32
      %dma_start3A_156 = arith.constant 0 : i32
      %dma_start3A_157 = tpu.memref_slice %arg6[%dma_start3A_143, %dma_start3A_155, %dma_start3A_156] : memref<8x8x1024xf32, #tpu.memory_space<vmem>> -> memref<1x8x1024xf32, #tpu.memory_space<vmem>>
      %dma_start3A_158 = tpu.memref_squeeze %dma_start3A_157 : memref<1x8x1024xf32, #tpu.memory_space<vmem>> -> memref<8x1024xf32, #tpu.memory_space<vmem>>
      tpu.enqueue_dma source(%dma_start3A_158 : memref<8x1024xf32, #tpu.memory_space<vmem>>) target(%dma_start3A_154 : memref<8x1024xf32, #tpu.memory_space<hbm>>) target_semaphore(%dma_start3A_152 : memref<!tpu.dma_semaphore, #tpu.memory_space<semaphore_mem>>)
      %gt3A = arith.constant 0 : i32
      %gt3A_159 = arith.cmpi sgt, %scan3A_122, %gt3A : i32
      %convert_element_type3A = arith.extui %gt3A_159 : i1 to i32
      %cond3A = arith.constant 0 : i32
      %cond3A_160 = arith.cmpi ne, %convert_element_type3A, %cond3A : i32
      scf.if %cond3A_160 {
        %dma_wait3A_575 = arith.constant 4 : i32
        %dma_wait3A_576 = arith.constant 4 : i32
        %dma_wait3A_577 = arith.constant 0 : i32
        %dma_wait3A_578 = arith.constant 0 : i32
        %dma_wait3A_579 = tpu.memref_slice %arg6[%dma_wait3A_575, %dma_wait3A_577, %dma_wait3A_578] : memref<8x8x1024xf32, #tpu.memory_space<vmem>> -> memref<1x8x1024xf32, #tpu.memory_space<vmem>>
        %dma_wait3A_580 = tpu.memref_squeeze %dma_wait3A_579 : memref<1x8x1024xf32, #tpu.memory_space<vmem>> -> memref<8x1024xf32, #tpu.memory_space<vmem>>
        %dma_wait3A_581 = arith.constant 0 : i32
        %dma_wait3A_582 = tpu.memref_slice %arg4[%mul3A_2, %dma_wait3A_581] : memref<32768x1024xf32, #tpu.memory_space<hbm>> -> memref<8x1024xf32, #tpu.memory_space<hbm>>
        %dma_wait3A_583 = tpu.memref_slice %arg8[%dma_wait3A_576] : memref<8x!tpu.dma_semaphore, #tpu.memory_space<semaphore_mem>> -> memref<1x!tpu.dma_semaphore, #tpu.memory_space<semaphore_mem>>
        %dma_wait3A_584 = tpu.memref_squeeze %dma_wait3A_583 : memref<1x!tpu.dma_semaphore, #tpu.memory_space<semaphore_mem>> -> memref<!tpu.dma_semaphore, #tpu.memory_space<semaphore_mem>>
        %dma_wait3A_585 = arith.constant 0 : i32
        %dma_wait3A_586 = tpu.memref_slice %arg4[%mul3A_2, %dma_wait3A_585] : memref<32768x1024xf32, #tpu.memory_space<hbm>> -> memref<8x1024xf32, #tpu.memory_space<hbm>>
        %dma_wait3A_587 = arith.constant 0 : i32
        %dma_wait3A_588 = arith.constant 0 : i32
        %dma_wait3A_589 = tpu.memref_slice %arg6[%dma_wait3A_575, %dma_wait3A_587, %dma_wait3A_588] : memref<8x8x1024xf32, #tpu.memory_space<vmem>> -> memref<1x8x1024xf32, #tpu.memory_space<vmem>>
        %dma_wait3A_590 = tpu.memref_squeeze %dma_wait3A_589 : memref<1x8x1024xf32, #tpu.memory_space<vmem>> -> memref<8x1024xf32, #tpu.memory_space<vmem>>
        tpu.wait_dma2 semaphore(%dma_wait3A_584 : memref<!tpu.dma_semaphore, #tpu.memory_space<semaphore_mem>>) src(%dma_wait3A_590 : memref<8x1024xf32, #tpu.memory_space<vmem>>) dst(%dma_wait3A_586 : memref<8x1024xf32, #tpu.memory_space<hbm>>)
      } else {
      }
      %add3A_161 = arith.constant 4 : i32
      %add3A_162 = arith.addi %add3A_126, %add3A_161 : i32
      %mul3A_163 = arith.constant 8 : i32
      %mul3A_164 = arith.muli %add3A_162, %mul3A_163 : i32
      %dma_start3A_165 = arith.constant 4 : i32
      %dma_start3A_166 = arith.constant 4 : i32
      %dma_start3A_167 = arith.constant 0 : i32
      %dma_start3A_168 = arith.constant 0 : i32
      %dma_start3A_169 = tpu.memref_slice %arg6[%dma_start3A_165, %dma_start3A_167, %dma_start3A_168] : memref<8x8x1024xf32, #tpu.memory_space<vmem>> -> memref<1x8x1024xf32, #tpu.memory_space<vmem>>
      %dma_start3A_170 = tpu.memref_squeeze %dma_start3A_169 : memref<1x8x1024xf32, #tpu.memory_space<vmem>> -> memref<8x1024xf32, #tpu.memory_space<vmem>>
      %dma_start3A_171 = tpu.memref_slice %arg5[%mul3A_164] : memref<1024xi32, #tpu.memory_space<vmem>> -> memref<8xi32, #tpu.memory_space<vmem>>
      %dma_start3A_172 = arith.constant 0 : i32
      %dma_start3A_173 = arith.constant 0 : i32
      %dma_start3A_174 = tpu.memref_slice %arg3[%dma_start3A_172, %dma_start3A_173] : memref<8192x1024xf32, #tpu.memory_space<hbm>> -> memref<8192x1024xf32, #tpu.memory_space<hbm>>
      %dma_start3A_175 = tpu.memref_slice %arg7[%dma_start3A_166] : memref<8x!tpu.dma_semaphore, #tpu.memory_space<semaphore_mem>> -> memref<1x!tpu.dma_semaphore, #tpu.memory_space<semaphore_mem>>
      %dma_start3A_176 = tpu.memref_squeeze %dma_start3A_175 : memref<1x!tpu.dma_semaphore, #tpu.memory_space<semaphore_mem>> -> memref<!tpu.dma_semaphore, #tpu.memory_space<semaphore_mem>>
      tpu.enqueue_indirect_dma source(%dma_start3A_174 : memref<8192x1024xf32, #tpu.memory_space<hbm>>) target(%dma_start3A_170 : memref<8x1024xf32, #tpu.memory_space<vmem>>) offsets(%dma_start3A_171 : memref<8xi32, #tpu.memory_space<vmem>>) semaphore(%dma_start3A_176 : memref<!tpu.dma_semaphore, #tpu.memory_space<semaphore_mem>>)
      %mul3A_177 = arith.constant 8 : i32
      %mul3A_178 = arith.muli %scan3A_122, %mul3A_177 : i32
      %add3A_179 = arith.constant 1 : i32
      %add3A_180 = arith.addi %mul3A_178, %add3A_179 : i32
      %dma_wait3A_181 = arith.constant 1 : i32
      %dma_wait3A_182 = arith.constant 1 : i32
      %dma_wait3A_183 = arith.constant 0 : i32
      %dma_wait3A_184 = arith.constant 0 : i32
      %dma_wait3A_185 = tpu.memref_slice %arg6[%dma_wait3A_181, %dma_wait3A_183, %dma_wait3A_184] : memref<8x8x1024xf32, #tpu.memory_space<vmem>> -> memref<1x8x1024xf32, #tpu.memory_space<vmem>>
      %dma_wait3A_186 = tpu.memref_squeeze %dma_wait3A_185 : memref<1x8x1024xf32, #tpu.memory_space<vmem>> -> memref<8x1024xf32, #tpu.memory_space<vmem>>
      %dma_wait3A_187 = arith.constant 0 : i32
      %dma_wait3A_188 = tpu.memref_slice %arg5[%dma_wait3A_187] : memref<1024xi32, #tpu.memory_space<vmem>> -> memref<8xi32, #tpu.memory_space<vmem>>
      %dma_wait3A_189 = arith.constant 0 : i32
      %dma_wait3A_190 = arith.constant 0 : i32
      %dma_wait3A_191 = tpu.memref_slice %arg3[%dma_wait3A_189, %dma_wait3A_190] : memref<8192x1024xf32, #tpu.memory_space<hbm>> -> memref<8192x1024xf32, #tpu.memory_space<hbm>>
      %dma_wait3A_192 = tpu.memref_slice %arg7[%dma_wait3A_182] : memref<8x!tpu.dma_semaphore, #tpu.memory_space<semaphore_mem>> -> memref<1x!tpu.dma_semaphore, #tpu.memory_space<semaphore_mem>>
      %dma_wait3A_193 = tpu.memref_squeeze %dma_wait3A_192 : memref<1x!tpu.dma_semaphore, #tpu.memory_space<semaphore_mem>> -> memref<!tpu.dma_semaphore, #tpu.memory_space<semaphore_mem>>
      tpu.wait_indirect_dma semaphore(%dma_wait3A_193 : memref<!tpu.dma_semaphore, #tpu.memory_space<semaphore_mem>>) src(%dma_wait3A_191 : memref<8192x1024xf32, #tpu.memory_space<hbm>>) dst(%dma_wait3A_186 : memref<8x1024xf32, #tpu.memory_space<vmem>>)
      %mul3A_194 = arith.constant 8 : i32
      %mul3A_195 = arith.muli %add3A_180, %mul3A_194 : i32
      %add3A_196 = arith.addi %mul3A_2, %mul3A_195 : i32
      %dma_start3A_197 = arith.constant 1 : i32
      %dma_start3A_198 = arith.constant 1 : i32
      %dma_start3A_199 = arith.constant 0 : i32
      %dma_start3A_200 = arith.constant 0 : i32
      %dma_start3A_201 = tpu.memref_slice %arg6[%dma_start3A_197, %dma_start3A_199, %dma_start3A_200] : memref<8x8x1024xf32, #tpu.memory_space<vmem>> -> memref<1x8x1024xf32, #tpu.memory_space<vmem>>
      %dma_start3A_202 = tpu.memref_squeeze %dma_start3A_201 : memref<1x8x1024xf32, #tpu.memory_space<vmem>> -> memref<8x1024xf32, #tpu.memory_space<vmem>>
      %dma_start3A_203 = arith.constant 0 : i32
      %dma_start3A_204 = tpu.memref_slice %arg4[%add3A_196, %dma_start3A_203] : memref<32768x1024xf32, #tpu.memory_space<hbm>> -> memref<8x1024xf32, #tpu.memory_space<hbm>>
      %dma_start3A_205 = tpu.memref_slice %arg8[%dma_start3A_198] : memref<8x!tpu.dma_semaphore, #tpu.memory_space<semaphore_mem>> -> memref<1x!tpu.dma_semaphore, #tpu.memory_space<semaphore_mem>>
      %dma_start3A_206 = tpu.memref_squeeze %dma_start3A_205 : memref<1x!tpu.dma_semaphore, #tpu.memory_space<semaphore_mem>> -> memref<!tpu.dma_semaphore, #tpu.memory_space<semaphore_mem>>
      %dma_start3A_207 = arith.constant 0 : i32
      %dma_start3A_208 = tpu.memref_slice %arg4[%add3A_196, %dma_start3A_207] : memref<32768x1024xf32, #tpu.memory_space<hbm>> -> memref<8x1024xf32, #tpu.memory_space<hbm>>
      %dma_start3A_209 = arith.constant 0 : i32
      %dma_start3A_210 = arith.constant 0 : i32
      %dma_start3A_211 = tpu.memref_slice %arg6[%dma_start3A_197, %dma_start3A_209, %dma_start3A_210] : memref<8x8x1024xf32, #tpu.memory_space<vmem>> -> memref<1x8x1024xf32, #tpu.memory_space<vmem>>
      %dma_start3A_212 = tpu.memref_squeeze %dma_start3A_211 : memref<1x8x1024xf32, #tpu.memory_space<vmem>> -> memref<8x1024xf32, #tpu.memory_space<vmem>>
      tpu.enqueue_dma source(%dma_start3A_212 : memref<8x1024xf32, #tpu.memory_space<vmem>>) target(%dma_start3A_208 : memref<8x1024xf32, #tpu.memory_space<hbm>>) target_semaphore(%dma_start3A_206 : memref<!tpu.dma_semaphore, #tpu.memory_space<semaphore_mem>>)
      %gt3A_213 = arith.constant 0 : i32
      %gt3A_214 = arith.cmpi sgt, %scan3A_122, %gt3A_213 : i32
      %convert_element_type3A_215 = arith.extui %gt3A_214 : i1 to i32
      %cond3A_216 = arith.constant 0 : i32
      %cond3A_217 = arith.cmpi ne, %convert_element_type3A_215, %cond3A_216 : i32
      scf.if %cond3A_217 {
        %dma_wait3A_575 = arith.constant 5 : i32
        %dma_wait3A_576 = arith.constant 5 : i32
        %dma_wait3A_577 = arith.constant 0 : i32
        %dma_wait3A_578 = arith.constant 0 : i32
        %dma_wait3A_579 = tpu.memref_slice %arg6[%dma_wait3A_575, %dma_wait3A_577, %dma_wait3A_578] : memref<8x8x1024xf32, #tpu.memory_space<vmem>> -> memref<1x8x1024xf32, #tpu.memory_space<vmem>>
        %dma_wait3A_580 = tpu.memref_squeeze %dma_wait3A_579 : memref<1x8x1024xf32, #tpu.memory_space<vmem>> -> memref<8x1024xf32, #tpu.memory_space<vmem>>
        %dma_wait3A_581 = arith.constant 0 : i32
        %dma_wait3A_582 = tpu.memref_slice %arg4[%mul3A_2, %dma_wait3A_581] : memref<32768x1024xf32, #tpu.memory_space<hbm>> -> memref<8x1024xf32, #tpu.memory_space<hbm>>
        %dma_wait3A_583 = tpu.memref_slice %arg8[%dma_wait3A_576] : memref<8x!tpu.dma_semaphore, #tpu.memory_space<semaphore_mem>> -> memref<1x!tpu.dma_semaphore, #tpu.memory_space<semaphore_mem>>
        %dma_wait3A_584 = tpu.memref_squeeze %dma_wait3A_583 : memref<1x!tpu.dma_semaphore, #tpu.memory_space<semaphore_mem>> -> memref<!tpu.dma_semaphore, #tpu.memory_space<semaphore_mem>>
        %dma_wait3A_585 = arith.constant 0 : i32
        %dma_wait3A_586 = tpu.memref_slice %arg4[%mul3A_2, %dma_wait3A_585] : memref<32768x1024xf32, #tpu.memory_space<hbm>> -> memref<8x1024xf32, #tpu.memory_space<hbm>>
        %dma_wait3A_587 = arith.constant 0 : i32
        %dma_wait3A_588 = arith.constant 0 : i32
        %dma_wait3A_589 = tpu.memref_slice %arg6[%dma_wait3A_575, %dma_wait3A_587, %dma_wait3A_588] : memref<8x8x1024xf32, #tpu.memory_space<vmem>> -> memref<1x8x1024xf32, #tpu.memory_space<vmem>>
        %dma_wait3A_590 = tpu.memref_squeeze %dma_wait3A_589 : memref<1x8x1024xf32, #tpu.memory_space<vmem>> -> memref<8x1024xf32, #tpu.memory_space<vmem>>
        tpu.wait_dma2 semaphore(%dma_wait3A_584 : memref<!tpu.dma_semaphore, #tpu.memory_space<semaphore_mem>>) src(%dma_wait3A_590 : memref<8x1024xf32, #tpu.memory_space<vmem>>) dst(%dma_wait3A_586 : memref<8x1024xf32, #tpu.memory_space<hbm>>)
      } else {
      }
      %add3A_218 = arith.constant 4 : i32
      %add3A_219 = arith.addi %add3A_180, %add3A_218 : i32
      %mul3A_220 = arith.constant 8 : i32
      %mul3A_221 = arith.muli %add3A_219, %mul3A_220 : i32
      %dma_start3A_222 = arith.constant 5 : i32
      %dma_start3A_223 = arith.constant 5 : i32
      %dma_start3A_224 = arith.constant 0 : i32
      %dma_start3A_225 = arith.constant 0 : i32
      %dma_start3A_226 = tpu.memref_slice %arg6[%dma_start3A_222, %dma_start3A_224, %dma_start3A_225] : memref<8x8x1024xf32, #tpu.memory_space<vmem>> -> memref<1x8x1024xf32, #tpu.memory_space<vmem>>
      %dma_start3A_227 = tpu.memref_squeeze %dma_start3A_226 : memref<1x8x1024xf32, #tpu.memory_space<vmem>> -> memref<8x1024xf32, #tpu.memory_space<vmem>>
      %dma_start3A_228 = tpu.memref_slice %arg5[%mul3A_221] : memref<1024xi32, #tpu.memory_space<vmem>> -> memref<8xi32, #tpu.memory_space<vmem>>
      %dma_start3A_229 = arith.constant 0 : i32
      %dma_start3A_230 = arith.constant 0 : i32
      %dma_start3A_231 = tpu.memref_slice %arg3[%dma_start3A_229, %dma_start3A_230] : memref<8192x1024xf32, #tpu.memory_space<hbm>> -> memref<8192x1024xf32, #tpu.memory_space<hbm>>
      %dma_start3A_232 = tpu.memref_slice %arg7[%dma_start3A_223] : memref<8x!tpu.dma_semaphore, #tpu.memory_space<semaphore_mem>> -> memref<1x!tpu.dma_semaphore, #tpu.memory_space<semaphore_mem>>
      %dma_start3A_233 = tpu.memref_squeeze %dma_start3A_232 : memref<1x!tpu.dma_semaphore, #tpu.memory_space<semaphore_mem>> -> memref<!tpu.dma_semaphore, #tpu.memory_space<semaphore_mem>>
      tpu.enqueue_indirect_dma source(%dma_start3A_231 : memref<8192x1024xf32, #tpu.memory_space<hbm>>) target(%dma_start3A_227 : memref<8x1024xf32, #tpu.memory_space<vmem>>) offsets(%dma_start3A_228 : memref<8xi32, #tpu.memory_space<vmem>>) semaphore(%dma_start3A_233 : memref<!tpu.dma_semaphore, #tpu.memory_space<semaphore_mem>>)
      %mul3A_234 = arith.constant 8 : i32
      %mul3A_235 = arith.muli %scan3A_122, %mul3A_234 : i32
      %add3A_236 = arith.constant 2 : i32
      %add3A_237 = arith.addi %mul3A_235, %add3A_236 : i32
      %dma_wait3A_238 = arith.constant 2 : i32
      %dma_wait3A_239 = arith.constant 2 : i32
      %dma_wait3A_240 = arith.constant 0 : i32
      %dma_wait3A_241 = arith.constant 0 : i32
      %dma_wait3A_242 = tpu.memref_slice %arg6[%dma_wait3A_238, %dma_wait3A_240, %dma_wait3A_241] : memref<8x8x1024xf32, #tpu.memory_space<vmem>> -> memref<1x8x1024xf32, #tpu.memory_space<vmem>>
      %dma_wait3A_243 = tpu.memref_squeeze %dma_wait3A_242 : memref<1x8x1024xf32, #tpu.memory_space<vmem>> -> memref<8x1024xf32, #tpu.memory_space<vmem>>
      %dma_wait3A_244 = arith.constant 0 : i32
      %dma_wait3A_245 = tpu.memref_slice %arg5[%dma_wait3A_244] : memref<1024xi32, #tpu.memory_space<vmem>> -> memref<8xi32, #tpu.memory_space<vmem>>
      %dma_wait3A_246 = arith.constant 0 : i32
      %dma_wait3A_247 = arith.constant 0 : i32
      %dma_wait3A_248 = tpu.memref_slice %arg3[%dma_wait3A_246, %dma_wait3A_247] : memref<8192x1024xf32, #tpu.memory_space<hbm>> -> memref<8192x1024xf32, #tpu.memory_space<hbm>>
      %dma_wait3A_249 = tpu.memref_slice %arg7[%dma_wait3A_239] : memref<8x!tpu.dma_semaphore, #tpu.memory_space<semaphore_mem>> -> memref<1x!tpu.dma_semaphore, #tpu.memory_space<semaphore_mem>>
      %dma_wait3A_250 = tpu.memref_squeeze %dma_wait3A_249 : memref<1x!tpu.dma_semaphore, #tpu.memory_space<semaphore_mem>> -> memref<!tpu.dma_semaphore, #tpu.memory_space<semaphore_mem>>
      tpu.wait_indirect_dma semaphore(%dma_wait3A_250 : memref<!tpu.dma_semaphore, #tpu.memory_space<semaphore_mem>>) src(%dma_wait3A_248 : memref<8192x1024xf32, #tpu.memory_space<hbm>>) dst(%dma_wait3A_243 : memref<8x1024xf32, #tpu.memory_space<vmem>>)
      %mul3A_251 = arith.constant 8 : i32
      %mul3A_252 = arith.muli %add3A_237, %mul3A_251 : i32
      %add3A_253 = arith.addi %mul3A_2, %mul3A_252 : i32
      %dma_start3A_254 = arith.constant 2 : i32
      %dma_start3A_255 = arith.constant 2 : i32
      %dma_start3A_256 = arith.constant 0 : i32
      %dma_start3A_257 = arith.constant 0 : i32
      %dma_start3A_258 = tpu.memref_slice %arg6[%dma_start3A_254, %dma_start3A_256, %dma_start3A_257] : memref<8x8x1024xf32, #tpu.memory_space<vmem>> -> memref<1x8x1024xf32, #tpu.memory_space<vmem>>
      %dma_start3A_259 = tpu.memref_squeeze %dma_start3A_258 : memref<1x8x1024xf32, #tpu.memory_space<vmem>> -> memref<8x1024xf32, #tpu.memory_space<vmem>>
      %dma_start3A_260 = arith.constant 0 : i32
      %dma_start3A_261 = tpu.memref_slice %arg4[%add3A_253, %dma_start3A_260] : memref<32768x1024xf32, #tpu.memory_space<hbm>> -> memref<8x1024xf32, #tpu.memory_space<hbm>>
      %dma_start3A_262 = tpu.memref_slice %arg8[%dma_start3A_255] : memref<8x!tpu.dma_semaphore, #tpu.memory_space<semaphore_mem>> -> memref<1x!tpu.dma_semaphore, #tpu.memory_space<semaphore_mem>>
      %dma_start3A_263 = tpu.memref_squeeze %dma_start3A_262 : memref<1x!tpu.dma_semaphore, #tpu.memory_space<semaphore_mem>> -> memref<!tpu.dma_semaphore, #tpu.memory_space<semaphore_mem>>
      %dma_start3A_264 = arith.constant 0 : i32
      %dma_start3A_265 = tpu.memref_slice %arg4[%add3A_253, %dma_start3A_264] : memref<32768x1024xf32, #tpu.memory_space<hbm>> -> memref<8x1024xf32, #tpu.memory_space<hbm>>
      %dma_start3A_266 = arith.constant 0 : i32
      %dma_start3A_267 = arith.constant 0 : i32
      %dma_start3A_268 = tpu.memref_slice %arg6[%dma_start3A_254, %dma_start3A_266, %dma_start3A_267] : memref<8x8x1024xf32, #tpu.memory_space<vmem>> -> memref<1x8x1024xf32, #tpu.memory_space<vmem>>
      %dma_start3A_269 = tpu.memref_squeeze %dma_start3A_268 : memref<1x8x1024xf32, #tpu.memory_space<vmem>> -> memref<8x1024xf32, #tpu.memory_space<vmem>>
      tpu.enqueue_dma source(%dma_start3A_269 : memref<8x1024xf32, #tpu.memory_space<vmem>>) target(%dma_start3A_265 : memref<8x1024xf32, #tpu.memory_space<hbm>>) target_semaphore(%dma_start3A_263 : memref<!tpu.dma_semaphore, #tpu.memory_space<semaphore_mem>>)
      %gt3A_270 = arith.constant 0 : i32
      %gt3A_271 = arith.cmpi sgt, %scan3A_122, %gt3A_270 : i32
      %convert_element_type3A_272 = arith.extui %gt3A_271 : i1 to i32
      %cond3A_273 = arith.constant 0 : i32
      %cond3A_274 = arith.cmpi ne, %convert_element_type3A_272, %cond3A_273 : i32
      scf.if %cond3A_274 {
        %dma_wait3A_575 = arith.constant 6 : i32
        %dma_wait3A_576 = arith.constant 6 : i32
        %dma_wait3A_577 = arith.constant 0 : i32
        %dma_wait3A_578 = arith.constant 0 : i32
        %dma_wait3A_579 = tpu.memref_slice %arg6[%dma_wait3A_575, %dma_wait3A_577, %dma_wait3A_578] : memref<8x8x1024xf32, #tpu.memory_space<vmem>> -> memref<1x8x1024xf32, #tpu.memory_space<vmem>>
        %dma_wait3A_580 = tpu.memref_squeeze %dma_wait3A_579 : memref<1x8x1024xf32, #tpu.memory_space<vmem>> -> memref<8x1024xf32, #tpu.memory_space<vmem>>
        %dma_wait3A_581 = arith.constant 0 : i32
        %dma_wait3A_582 = tpu.memref_slice %arg4[%mul3A_2, %dma_wait3A_581] : memref<32768x1024xf32, #tpu.memory_space<hbm>> -> memref<8x1024xf32, #tpu.memory_space<hbm>>
        %dma_wait3A_583 = tpu.memref_slice %arg8[%dma_wait3A_576] : memref<8x!tpu.dma_semaphore, #tpu.memory_space<semaphore_mem>> -> memref<1x!tpu.dma_semaphore, #tpu.memory_space<semaphore_mem>>
        %dma_wait3A_584 = tpu.memref_squeeze %dma_wait3A_583 : memref<1x!tpu.dma_semaphore, #tpu.memory_space<semaphore_mem>> -> memref<!tpu.dma_semaphore, #tpu.memory_space<semaphore_mem>>
        %dma_wait3A_585 = arith.constant 0 : i32
        %dma_wait3A_586 = tpu.memref_slice %arg4[%mul3A_2, %dma_wait3A_585] : memref<32768x1024xf32, #tpu.memory_space<hbm>> -> memref<8x1024xf32, #tpu.memory_space<hbm>>
        %dma_wait3A_587 = arith.constant 0 : i32
        %dma_wait3A_588 = arith.constant 0 : i32
        %dma_wait3A_589 = tpu.memref_slice %arg6[%dma_wait3A_575, %dma_wait3A_587, %dma_wait3A_588] : memref<8x8x1024xf32, #tpu.memory_space<vmem>> -> memref<1x8x1024xf32, #tpu.memory_space<vmem>>
        %dma_wait3A_590 = tpu.memref_squeeze %dma_wait3A_589 : memref<1x8x1024xf32, #tpu.memory_space<vmem>> -> memref<8x1024xf32, #tpu.memory_space<vmem>>
        tpu.wait_dma2 semaphore(%dma_wait3A_584 : memref<!tpu.dma_semaphore, #tpu.memory_space<semaphore_mem>>) src(%dma_wait3A_590 : memref<8x1024xf32, #tpu.memory_space<vmem>>) dst(%dma_wait3A_586 : memref<8x1024xf32, #tpu.memory_space<hbm>>)
      } else {
      }
      %add3A_275 = arith.constant 4 : i32
      %add3A_276 = arith.addi %add3A_237, %add3A_275 : i32
      %mul3A_277 = arith.constant 8 : i32
      %mul3A_278 = arith.muli %add3A_276, %mul3A_277 : i32
      %dma_start3A_279 = arith.constant 6 : i32
      %dma_start3A_280 = arith.constant 6 : i32
      %dma_start3A_281 = arith.constant 0 : i32
      %dma_start3A_282 = arith.constant 0 : i32
      %dma_start3A_283 = tpu.memref_slice %arg6[%dma_start3A_279, %dma_start3A_281, %dma_start3A_282] : memref<8x8x1024xf32, #tpu.memory_space<vmem>> -> memref<1x8x1024xf32, #tpu.memory_space<vmem>>
      %dma_start3A_284 = tpu.memref_squeeze %dma_start3A_283 : memref<1x8x1024xf32, #tpu.memory_space<vmem>> -> memref<8x1024xf32, #tpu.memory_space<vmem>>
      %dma_start3A_285 = tpu.memref_slice %arg5[%mul3A_278] : memref<1024xi32, #tpu.memory_space<vmem>> -> memref<8xi32, #tpu.memory_space<vmem>>
      %dma_start3A_286 = arith.constant 0 : i32
      %dma_start3A_287 = arith.constant 0 : i32
      %dma_start3A_288 = tpu.memref_slice %arg3[%dma_start3A_286, %dma_start3A_287] : memref<8192x1024xf32, #tpu.memory_space<hbm>> -> memref<8192x1024xf32, #tpu.memory_space<hbm>>
      %dma_start3A_289 = tpu.memref_slice %arg7[%dma_start3A_280] : memref<8x!tpu.dma_semaphore, #tpu.memory_space<semaphore_mem>> -> memref<1x!tpu.dma_semaphore, #tpu.memory_space<semaphore_mem>>
      %dma_start3A_290 = tpu.memref_squeeze %dma_start3A_289 : memref<1x!tpu.dma_semaphore, #tpu.memory_space<semaphore_mem>> -> memref<!tpu.dma_semaphore, #tpu.memory_space<semaphore_mem>>
      tpu.enqueue_indirect_dma source(%dma_start3A_288 : memref<8192x1024xf32, #tpu.memory_space<hbm>>) target(%dma_start3A_284 : memref<8x1024xf32, #tpu.memory_space<vmem>>) offsets(%dma_start3A_285 : memref<8xi32, #tpu.memory_space<vmem>>) semaphore(%dma_start3A_290 : memref<!tpu.dma_semaphore, #tpu.memory_space<semaphore_mem>>)
      %mul3A_291 = arith.constant 8 : i32
      %mul3A_292 = arith.muli %scan3A_122, %mul3A_291 : i32
      %add3A_293 = arith.constant 3 : i32
      %add3A_294 = arith.addi %mul3A_292, %add3A_293 : i32
      %dma_wait3A_295 = arith.constant 3 : i32
      %dma_wait3A_296 = arith.constant 3 : i32
      %dma_wait3A_297 = arith.constant 0 : i32
      %dma_wait3A_298 = arith.constant 0 : i32
      %dma_wait3A_299 = tpu.memref_slice %arg6[%dma_wait3A_295, %dma_wait3A_297, %dma_wait3A_298] : memref<8x8x1024xf32, #tpu.memory_space<vmem>> -> memref<1x8x1024xf32, #tpu.memory_space<vmem>>
      %dma_wait3A_300 = tpu.memref_squeeze %dma_wait3A_299 : memref<1x8x1024xf32, #tpu.memory_space<vmem>> -> memref<8x1024xf32, #tpu.memory_space<vmem>>
      %dma_wait3A_301 = arith.constant 0 : i32
      %dma_wait3A_302 = tpu.memref_slice %arg5[%dma_wait3A_301] : memref<1024xi32, #tpu.memory_space<vmem>> -> memref<8xi32, #tpu.memory_space<vmem>>
      %dma_wait3A_303 = arith.constant 0 : i32
      %dma_wait3A_304 = arith.constant 0 : i32
      %dma_wait3A_305 = tpu.memref_slice %arg3[%dma_wait3A_303, %dma_wait3A_304] : memref<8192x1024xf32, #tpu.memory_space<hbm>> -> memref<8192x1024xf32, #tpu.memory_space<hbm>>
      %dma_wait3A_306 = tpu.memref_slice %arg7[%dma_wait3A_296] : memref<8x!tpu.dma_semaphore, #tpu.memory_space<semaphore_mem>> -> memref<1x!tpu.dma_semaphore, #tpu.memory_space<semaphore_mem>>
      %dma_wait3A_307 = tpu.memref_squeeze %dma_wait3A_306 : memref<1x!tpu.dma_semaphore, #tpu.memory_space<semaphore_mem>> -> memref<!tpu.dma_semaphore, #tpu.memory_space<semaphore_mem>>
      tpu.wait_indirect_dma semaphore(%dma_wait3A_307 : memref<!tpu.dma_semaphore, #tpu.memory_space<semaphore_mem>>) src(%dma_wait3A_305 : memref<8192x1024xf32, #tpu.memory_space<hbm>>) dst(%dma_wait3A_300 : memref<8x1024xf32, #tpu.memory_space<vmem>>)
      %mul3A_308 = arith.constant 8 : i32
      %mul3A_309 = arith.muli %add3A_294, %mul3A_308 : i32
      %add3A_310 = arith.addi %mul3A_2, %mul3A_309 : i32
      %dma_start3A_311 = arith.constant 3 : i32
      %dma_start3A_312 = arith.constant 3 : i32
      %dma_start3A_313 = arith.constant 0 : i32
      %dma_start3A_314 = arith.constant 0 : i32
      %dma_start3A_315 = tpu.memref_slice %arg6[%dma_start3A_311, %dma_start3A_313, %dma_start3A_314] : memref<8x8x1024xf32, #tpu.memory_space<vmem>> -> memref<1x8x1024xf32, #tpu.memory_space<vmem>>
      %dma_start3A_316 = tpu.memref_squeeze %dma_start3A_315 : memref<1x8x1024xf32, #tpu.memory_space<vmem>> -> memref<8x1024xf32, #tpu.memory_space<vmem>>
      %dma_start3A_317 = arith.constant 0 : i32
      %dma_start3A_318 = tpu.memref_slice %arg4[%add3A_310, %dma_start3A_317] : memref<32768x1024xf32, #tpu.memory_space<hbm>> -> memref<8x1024xf32, #tpu.memory_space<hbm>>
      %dma_start3A_319 = tpu.memref_slice %arg8[%dma_start3A_312] : memref<8x!tpu.dma_semaphore, #tpu.memory_space<semaphore_mem>> -> memref<1x!tpu.dma_semaphore, #tpu.memory_space<semaphore_mem>>
      %dma_start3A_320 = tpu.memref_squeeze %dma_start3A_319 : memref<1x!tpu.dma_semaphore, #tpu.memory_space<semaphore_mem>> -> memref<!tpu.dma_semaphore, #tpu.memory_space<semaphore_mem>>
      %dma_start3A_321 = arith.constant 0 : i32
      %dma_start3A_322 = tpu.memref_slice %arg4[%add3A_310, %dma_start3A_321] : memref<32768x1024xf32, #tpu.memory_space<hbm>> -> memref<8x1024xf32, #tpu.memory_space<hbm>>
      %dma_start3A_323 = arith.constant 0 : i32
      %dma_start3A_324 = arith.constant 0 : i32
      %dma_start3A_325 = tpu.memref_slice %arg6[%dma_start3A_311, %dma_start3A_323, %dma_start3A_324] : memref<8x8x1024xf32, #tpu.memory_space<vmem>> -> memref<1x8x1024xf32, #tpu.memory_space<vmem>>
      %dma_start3A_326 = tpu.memref_squeeze %dma_start3A_325 : memref<1x8x1024xf32, #tpu.memory_space<vmem>> -> memref<8x1024xf32, #tpu.memory_space<vmem>>
      tpu.enqueue_dma source(%dma_start3A_326 : memref<8x1024xf32, #tpu.memory_space<vmem>>) target(%dma_start3A_322 : memref<8x1024xf32, #tpu.memory_space<hbm>>) target_semaphore(%dma_start3A_320 : memref<!tpu.dma_semaphore, #tpu.memory_space<semaphore_mem>>)
      %gt3A_327 = arith.constant 0 : i32
      %gt3A_328 = arith.cmpi sgt, %scan3A_122, %gt3A_327 : i32
      %convert_element_type3A_329 = arith.extui %gt3A_328 : i1 to i32
      %cond3A_330 = arith.constant 0 : i32
      %cond3A_331 = arith.cmpi ne, %convert_element_type3A_329, %cond3A_330 : i32
      scf.if %cond3A_331 {
        %dma_wait3A_575 = arith.constant 7 : i32
        %dma_wait3A_576 = arith.constant 7 : i32
        %dma_wait3A_577 = arith.constant 0 : i32
        %dma_wait3A_578 = arith.constant 0 : i32
        %dma_wait3A_579 = tpu.memref_slice %arg6[%dma_wait3A_575, %dma_wait3A_577, %dma_wait3A_578] : memref<8x8x1024xf32, #tpu.memory_space<vmem>> -> memref<1x8x1024xf32, #tpu.memory_space<vmem>>
        %dma_wait3A_580 = tpu.memref_squeeze %dma_wait3A_579 : memref<1x8x1024xf32, #tpu.memory_space<vmem>> -> memref<8x1024xf32, #tpu.memory_space<vmem>>
        %dma_wait3A_581 = arith.constant 0 : i32
        %dma_wait3A_582 = tpu.memref_slice %arg4[%mul3A_2, %dma_wait3A_581] : memref<32768x1024xf32, #tpu.memory_space<hbm>> -> memref<8x1024xf32, #tpu.memory_space<hbm>>
        %dma_wait3A_583 = tpu.memref_slice %arg8[%dma_wait3A_576] : memref<8x!tpu.dma_semaphore, #tpu.memory_space<semaphore_mem>> -> memref<1x!tpu.dma_semaphore, #tpu.memory_space<semaphore_mem>>
        %dma_wait3A_584 = tpu.memref_squeeze %dma_wait3A_583 : memref<1x!tpu.dma_semaphore, #tpu.memory_space<semaphore_mem>> -> memref<!tpu.dma_semaphore, #tpu.memory_space<semaphore_mem>>
        %dma_wait3A_585 = arith.constant 0 : i32
        %dma_wait3A_586 = tpu.memref_slice %arg4[%mul3A_2, %dma_wait3A_585] : memref<32768x1024xf32, #tpu.memory_space<hbm>> -> memref<8x1024xf32, #tpu.memory_space<hbm>>
        %dma_wait3A_587 = arith.constant 0 : i32
        %dma_wait3A_588 = arith.constant 0 : i32
        %dma_wait3A_589 = tpu.memref_slice %arg6[%dma_wait3A_575, %dma_wait3A_587, %dma_wait3A_588] : memref<8x8x1024xf32, #tpu.memory_space<vmem>> -> memref<1x8x1024xf32, #tpu.memory_space<vmem>>
        %dma_wait3A_590 = tpu.memref_squeeze %dma_wait3A_589 : memref<1x8x1024xf32, #tpu.memory_space<vmem>> -> memref<8x1024xf32, #tpu.memory_space<vmem>>
        tpu.wait_dma2 semaphore(%dma_wait3A_584 : memref<!tpu.dma_semaphore, #tpu.memory_space<semaphore_mem>>) src(%dma_wait3A_590 : memref<8x1024xf32, #tpu.memory_space<vmem>>) dst(%dma_wait3A_586 : memref<8x1024xf32, #tpu.memory_space<hbm>>)
      } else {
      }
      %add3A_332 = arith.constant 4 : i32
      %add3A_333 = arith.addi %add3A_294, %add3A_332 : i32
      %mul3A_334 = arith.constant 8 : i32
      %mul3A_335 = arith.muli %add3A_333, %mul3A_334 : i32
      %dma_start3A_336 = arith.constant 7 : i32
      %dma_start3A_337 = arith.constant 7 : i32
      %dma_start3A_338 = arith.constant 0 : i32
      %dma_start3A_339 = arith.constant 0 : i32
      %dma_start3A_340 = tpu.memref_slice %arg6[%dma_start3A_336, %dma_start3A_338, %dma_start3A_339] : memref<8x8x1024xf32, #tpu.memory_space<vmem>> -> memref<1x8x1024xf32, #tpu.memory_space<vmem>>
      %dma_start3A_341 = tpu.memref_squeeze %dma_start3A_340 : memref<1x8x1024xf32, #tpu.memory_space<vmem>> -> memref<8x1024xf32, #tpu.memory_space<vmem>>
      %dma_start3A_342 = tpu.memref_slice %arg5[%mul3A_335] : memref<1024xi32, #tpu.memory_space<vmem>> -> memref<8xi32, #tpu.memory_space<vmem>>
      %dma_start3A_343 = arith.constant 0 : i32
      %dma_start3A_344 = arith.constant 0 : i32
      %dma_start3A_345 = tpu.memref_slice %arg3[%dma_start3A_343, %dma_start3A_344] : memref<8192x1024xf32, #tpu.memory_space<hbm>> -> memref<8192x1024xf32, #tpu.memory_space<hbm>>
      %dma_start3A_346 = tpu.memref_slice %arg7[%dma_start3A_337] : memref<8x!tpu.dma_semaphore, #tpu.memory_space<semaphore_mem>> -> memref<1x!tpu.dma_semaphore, #tpu.memory_space<semaphore_mem>>
      %dma_start3A_347 = tpu.memref_squeeze %dma_start3A_346 : memref<1x!tpu.dma_semaphore, #tpu.memory_space<semaphore_mem>> -> memref<!tpu.dma_semaphore, #tpu.memory_space<semaphore_mem>>
      tpu.enqueue_indirect_dma source(%dma_start3A_345 : memref<8192x1024xf32, #tpu.memory_space<hbm>>) target(%dma_start3A_341 : memref<8x1024xf32, #tpu.memory_space<vmem>>) offsets(%dma_start3A_342 : memref<8xi32, #tpu.memory_space<vmem>>) semaphore(%dma_start3A_347 : memref<!tpu.dma_semaphore, #tpu.memory_space<semaphore_mem>>)
      %mul3A_348 = arith.constant 8 : i32
      %mul3A_349 = arith.muli %scan3A_122, %mul3A_348 : i32
      %add3A_350 = arith.constant 4 : i32
      %add3A_351 = arith.addi %mul3A_349, %add3A_350 : i32
      %dma_wait3A_352 = arith.constant 4 : i32
      %dma_wait3A_353 = arith.constant 4 : i32
      %dma_wait3A_354 = arith.constant 0 : i32
      %dma_wait3A_355 = arith.constant 0 : i32
      %dma_wait3A_356 = tpu.memref_slice %arg6[%dma_wait3A_352, %dma_wait3A_354, %dma_wait3A_355] : memref<8x8x1024xf32, #tpu.memory_space<vmem>> -> memref<1x8x1024xf32, #tpu.memory_space<vmem>>
      %dma_wait3A_357 = tpu.memref_squeeze %dma_wait3A_356 : memref<1x8x1024xf32, #tpu.memory_space<vmem>> -> memref<8x1024xf32, #tpu.memory_space<vmem>>
      %dma_wait3A_358 = arith.constant 0 : i32
      %dma_wait3A_359 = tpu.memref_slice %arg5[%dma_wait3A_358] : memref<1024xi32, #tpu.memory_space<vmem>> -> memref<8xi32, #tpu.memory_space<vmem>>
      %dma_wait3A_360 = arith.constant 0 : i32
      %dma_wait3A_361 = arith.constant 0 : i32
      %dma_wait3A_362 = tpu.memref_slice %arg3[%dma_wait3A_360, %dma_wait3A_361] : memref<8192x1024xf32, #tpu.memory_space<hbm>> -> memref<8192x1024xf32, #tpu.memory_space<hbm>>
      %dma_wait3A_363 = tpu.memref_slice %arg7[%dma_wait3A_353] : memref<8x!tpu.dma_semaphore, #tpu.memory_space<semaphore_mem>> -> memref<1x!tpu.dma_semaphore, #tpu.memory_space<semaphore_mem>>
      %dma_wait3A_364 = tpu.memref_squeeze %dma_wait3A_363 : memref<1x!tpu.dma_semaphore, #tpu.memory_space<semaphore_mem>> -> memref<!tpu.dma_semaphore, #tpu.memory_space<semaphore_mem>>
      tpu.wait_indirect_dma semaphore(%dma_wait3A_364 : memref<!tpu.dma_semaphore, #tpu.memory_space<semaphore_mem>>) src(%dma_wait3A_362 : memref<8192x1024xf32, #tpu.memory_space<hbm>>) dst(%dma_wait3A_357 : memref<8x1024xf32, #tpu.memory_space<vmem>>)
      %mul3A_365 = arith.constant 8 : i32
      %mul3A_366 = arith.muli %add3A_351, %mul3A_365 : i32
      %add3A_367 = arith.addi %mul3A_2, %mul3A_366 : i32
      %dma_start3A_368 = arith.constant 4 : i32
      %dma_start3A_369 = arith.constant 4 : i32
      %dma_start3A_370 = arith.constant 0 : i32
      %dma_start3A_371 = arith.constant 0 : i32
      %dma_start3A_372 = tpu.memref_slice %arg6[%dma_start3A_368, %dma_start3A_370, %dma_start3A_371] : memref<8x8x1024xf32, #tpu.memory_space<vmem>> -> memref<1x8x1024xf32, #tpu.memory_space<vmem>>
      %dma_start3A_373 = tpu.memref_squeeze %dma_start3A_372 : memref<1x8x1024xf32, #tpu.memory_space<vmem>> -> memref<8x1024xf32, #tpu.memory_space<vmem>>
      %dma_start3A_374 = arith.constant 0 : i32
      %dma_start3A_375 = tpu.memref_slice %arg4[%add3A_367, %dma_start3A_374] : memref<32768x1024xf32, #tpu.memory_space<hbm>> -> memref<8x1024xf32, #tpu.memory_space<hbm>>
      %dma_start3A_376 = tpu.memref_slice %arg8[%dma_start3A_369] : memref<8x!tpu.dma_semaphore, #tpu.memory_space<semaphore_mem>> -> memref<1x!tpu.dma_semaphore, #tpu.memory_space<semaphore_mem>>
      %dma_start3A_377 = tpu.memref_squeeze %dma_start3A_376 : memref<1x!tpu.dma_semaphore, #tpu.memory_space<semaphore_mem>> -> memref<!tpu.dma_semaphore, #tpu.memory_space<semaphore_mem>>
      %dma_start3A_378 = arith.constant 0 : i32
      %dma_start3A_379 = tpu.memref_slice %arg4[%add3A_367, %dma_start3A_378] : memref<32768x1024xf32, #tpu.memory_space<hbm>> -> memref<8x1024xf32, #tpu.memory_space<hbm>>
      %dma_start3A_380 = arith.constant 0 : i32
      %dma_start3A_381 = arith.constant 0 : i32
      %dma_start3A_382 = tpu.memref_slice %arg6[%dma_start3A_368, %dma_start3A_380, %dma_start3A_381] : memref<8x8x1024xf32, #tpu.memory_space<vmem>> -> memref<1x8x1024xf32, #tpu.memory_space<vmem>>
      %dma_start3A_383 = tpu.memref_squeeze %dma_start3A_382 : memref<1x8x1024xf32, #tpu.memory_space<vmem>> -> memref<8x1024xf32, #tpu.memory_space<vmem>>
      tpu.enqueue_dma source(%dma_start3A_383 : memref<8x1024xf32, #tpu.memory_space<vmem>>) target(%dma_start3A_379 : memref<8x1024xf32, #tpu.memory_space<hbm>>) target_semaphore(%dma_start3A_377 : memref<!tpu.dma_semaphore, #tpu.memory_space<semaphore_mem>>)
      %dma_wait3A_384 = arith.constant 0 : i32
      %dma_wait3A_385 = arith.constant 0 : i32
      %dma_wait3A_386 = arith.constant 0 : i32
      %dma_wait3A_387 = arith.constant 0 : i32
      %dma_wait3A_388 = tpu.memref_slice %arg6[%dma_wait3A_384, %dma_wait3A_386, %dma_wait3A_387] : memref<8x8x1024xf32, #tpu.memory_space<vmem>> -> memref<1x8x1024xf32, #tpu.memory_space<vmem>>
      %dma_wait3A_389 = tpu.memref_squeeze %dma_wait3A_388 : memref<1x8x1024xf32, #tpu.memory_space<vmem>> -> memref<8x1024xf32, #tpu.memory_space<vmem>>
      %dma_wait3A_390 = arith.constant 0 : i32
      %dma_wait3A_391 = tpu.memref_slice %arg4[%mul3A_2, %dma_wait3A_390] : memref<32768x1024xf32, #tpu.memory_space<hbm>> -> memref<8x1024xf32, #tpu.memory_space<hbm>>
      %dma_wait3A_392 = tpu.memref_slice %arg8[%dma_wait3A_385] : memref<8x!tpu.dma_semaphore, #tpu.memory_space<semaphore_mem>> -> memref<1x!tpu.dma_semaphore, #tpu.memory_space<semaphore_mem>>
      %dma_wait3A_393 = tpu.memref_squeeze %dma_wait3A_392 : memref<1x!tpu.dma_semaphore, #tpu.memory_space<semaphore_mem>> -> memref<!tpu.dma_semaphore, #tpu.memory_space<semaphore_mem>>
      %dma_wait3A_394 = arith.constant 0 : i32
      %dma_wait3A_395 = tpu.memref_slice %arg4[%mul3A_2, %dma_wait3A_394] : memref<32768x1024xf32, #tpu.memory_space<hbm>> -> memref<8x1024xf32, #tpu.memory_space<hbm>>
      %dma_wait3A_396 = arith.constant 0 : i32
      %dma_wait3A_397 = arith.constant 0 : i32
      %dma_wait3A_398 = tpu.memref_slice %arg6[%dma_wait3A_384, %dma_wait3A_396, %dma_wait3A_397] : memref<8x8x1024xf32, #tpu.memory_space<vmem>> -> memref<1x8x1024xf32, #tpu.memory_space<vmem>>
      %dma_wait3A_399 = tpu.memref_squeeze %dma_wait3A_398 : memref<1x8x1024xf32, #tpu.memory_space<vmem>> -> memref<8x1024xf32, #tpu.memory_space<vmem>>
      tpu.wait_dma2 semaphore(%dma_wait3A_393 : memref<!tpu.dma_semaphore, #tpu.memory_space<semaphore_mem>>) src(%dma_wait3A_399 : memref<8x1024xf32, #tpu.memory_space<vmem>>) dst(%dma_wait3A_395 : memref<8x1024xf32, #tpu.memory_space<hbm>>)
      %lt3A = arith.constant 15 : i32
      %lt3A_400 = arith.cmpi slt, %scan3A_122, %lt3A : i32
      %convert_element_type3A_401 = arith.extui %lt3A_400 : i1 to i32
      %cond3A_402 = arith.constant 0 : i32
      %cond3A_403 = arith.cmpi ne, %convert_element_type3A_401, %cond3A_402 : i32
      scf.if %cond3A_403 {
        %add3A_575 = arith.constant 4 : i32
        %add3A_576 = arith.addi %add3A_351, %add3A_575 : i32
        %mul3A_577 = arith.constant 8 : i32
        %mul3A_578 = arith.muli %add3A_576, %mul3A_577 : i32
        %dma_start3A_579 = arith.constant 0 : i32
        %dma_start3A_580 = arith.constant 0 : i32
        %dma_start3A_581 = arith.constant 0 : i32
        %dma_start3A_582 = arith.constant 0 : i32
        %dma_start3A_583 = tpu.memref_slice %arg6[%dma_start3A_579, %dma_start3A_581, %dma_start3A_582] : memref<8x8x1024xf32, #tpu.memory_space<vmem>> -> memref<1x8x1024xf32, #tpu.memory_space<vmem>>
        %dma_start3A_584 = tpu.memref_squeeze %dma_start3A_583 : memref<1x8x1024xf32, #tpu.memory_space<vmem>> -> memref<8x1024xf32, #tpu.memory_space<vmem>>
        %dma_start3A_585 = tpu.memref_slice %arg5[%mul3A_578] : memref<1024xi32, #tpu.memory_space<vmem>> -> memref<8xi32, #tpu.memory_space<vmem>>
        %dma_start3A_586 = arith.constant 0 : i32
        %dma_start3A_587 = arith.constant 0 : i32
        %dma_start3A_588 = tpu.memref_slice %arg3[%dma_start3A_586, %dma_start3A_587] : memref<8192x1024xf32, #tpu.memory_space<hbm>> -> memref<8192x1024xf32, #tpu.memory_space<hbm>>
        %dma_start3A_589 = tpu.memref_slice %arg7[%dma_start3A_580] : memref<8x!tpu.dma_semaphore, #tpu.memory_space<semaphore_mem>> -> memref<1x!tpu.dma_semaphore, #tpu.memory_space<semaphore_mem>>
        %dma_start3A_590 = tpu.memref_squeeze %dma_start3A_589 : memref<1x!tpu.dma_semaphore, #tpu.memory_space<semaphore_mem>> -> memref<!tpu.dma_semaphore, #tpu.memory_space<semaphore_mem>>
        tpu.enqueue_indirect_dma source(%dma_start3A_588 : memref<8192x1024xf32, #tpu.memory_space<hbm>>) target(%dma_start3A_584 : memref<8x1024xf32, #tpu.memory_space<vmem>>) offsets(%dma_start3A_585 : memref<8xi32, #tpu.memory_space<vmem>>) semaphore(%dma_start3A_590 : memref<!tpu.dma_semaphore, #tpu.memory_space<semaphore_mem>>)
      } else {
      }
      %mul3A_404 = arith.constant 8 : i32
      %mul3A_405 = arith.muli %scan3A_122, %mul3A_404 : i32
      %add3A_406 = arith.constant 5 : i32
      %add3A_407 = arith.addi %mul3A_405, %add3A_406 : i32
      %dma_wait3A_408 = arith.constant 5 : i32
      %dma_wait3A_409 = arith.constant 5 : i32
      %dma_wait3A_410 = arith.constant 0 : i32
      %dma_wait3A_411 = arith.constant 0 : i32
      %dma_wait3A_412 = tpu.memref_slice %arg6[%dma_wait3A_408, %dma_wait3A_410, %dma_wait3A_411] : memref<8x8x1024xf32, #tpu.memory_space<vmem>> -> memref<1x8x1024xf32, #tpu.memory_space<vmem>>
      %dma_wait3A_413 = tpu.memref_squeeze %dma_wait3A_412 : memref<1x8x1024xf32, #tpu.memory_space<vmem>> -> memref<8x1024xf32, #tpu.memory_space<vmem>>
      %dma_wait3A_414 = arith.constant 0 : i32
      %dma_wait3A_415 = tpu.memref_slice %arg5[%dma_wait3A_414] : memref<1024xi32, #tpu.memory_space<vmem>> -> memref<8xi32, #tpu.memory_space<vmem>>
      %dma_wait3A_416 = arith.constant 0 : i32
      %dma_wait3A_417 = arith.constant 0 : i32
      %dma_wait3A_418 = tpu.memref_slice %arg3[%dma_wait3A_416, %dma_wait3A_417] : memref<8192x1024xf32, #tpu.memory_space<hbm>> -> memref<8192x1024xf32, #tpu.memory_space<hbm>>
      %dma_wait3A_419 = tpu.memref_slice %arg7[%dma_wait3A_409] : memref<8x!tpu.dma_semaphore, #tpu.memory_space<semaphore_mem>> -> memref<1x!tpu.dma_semaphore, #tpu.memory_space<semaphore_mem>>
      %dma_wait3A_420 = tpu.memref_squeeze %dma_wait3A_419 : memref<1x!tpu.dma_semaphore, #tpu.memory_space<semaphore_mem>> -> memref<!tpu.dma_semaphore, #tpu.memory_space<semaphore_mem>>
      tpu.wait_indirect_dma semaphore(%dma_wait3A_420 : memref<!tpu.dma_semaphore, #tpu.memory_space<semaphore_mem>>) src(%dma_wait3A_418 : memref<8192x1024xf32, #tpu.memory_space<hbm>>) dst(%dma_wait3A_413 : memref<8x1024xf32, #tpu.memory_space<vmem>>)
      %mul3A_421 = arith.constant 8 : i32
      %mul3A_422 = arith.muli %add3A_407, %mul3A_421 : i32
      %add3A_423 = arith.addi %mul3A_2, %mul3A_422 : i32
      %dma_start3A_424 = arith.constant 5 : i32
      %dma_start3A_425 = arith.constant 5 : i32
      %dma_start3A_426 = arith.constant 0 : i32
      %dma_start3A_427 = arith.constant 0 : i32
      %dma_start3A_428 = tpu.memref_slice %arg6[%dma_start3A_424, %dma_start3A_426, %dma_start3A_427] : memref<8x8x1024xf32, #tpu.memory_space<vmem>> -> memref<1x8x1024xf32, #tpu.memory_space<vmem>>
      %dma_start3A_429 = tpu.memref_squeeze %dma_start3A_428 : memref<1x8x1024xf32, #tpu.memory_space<vmem>> -> memref<8x1024xf32, #tpu.memory_space<vmem>>
      %dma_start3A_430 = arith.constant 0 : i32
      %dma_start3A_431 = tpu.memref_slice %arg4[%add3A_423, %dma_start3A_430] : memref<32768x1024xf32, #tpu.memory_space<hbm>> -> memref<8x1024xf32, #tpu.memory_space<hbm>>
      %dma_start3A_432 = tpu.memref_slice %arg8[%dma_start3A_425] : memref<8x!tpu.dma_semaphore, #tpu.memory_space<semaphore_mem>> -> memref<1x!tpu.dma_semaphore, #tpu.memory_space<semaphore_mem>>
      %dma_start3A_433 = tpu.memref_squeeze %dma_start3A_432 : memref<1x!tpu.dma_semaphore, #tpu.memory_space<semaphore_mem>> -> memref<!tpu.dma_semaphore, #tpu.memory_space<semaphore_mem>>
      %dma_start3A_434 = arith.constant 0 : i32
      %dma_start3A_435 = tpu.memref_slice %arg4[%add3A_423, %dma_start3A_434] : memref<32768x1024xf32, #tpu.memory_space<hbm>> -> memref<8x1024xf32, #tpu.memory_space<hbm>>
      %dma_start3A_436 = arith.constant 0 : i32
      %dma_start3A_437 = arith.constant 0 : i32
      %dma_start3A_438 = tpu.memref_slice %arg6[%dma_start3A_424, %dma_start3A_436, %dma_start3A_437] : memref<8x8x1024xf32, #tpu.memory_space<vmem>> -> memref<1x8x1024xf32, #tpu.memory_space<vmem>>
      %dma_start3A_439 = tpu.memref_squeeze %dma_start3A_438 : memref<1x8x1024xf32, #tpu.memory_space<vmem>> -> memref<8x1024xf32, #tpu.memory_space<vmem>>
      tpu.enqueue_dma source(%dma_start3A_439 : memref<8x1024xf32, #tpu.memory_space<vmem>>) target(%dma_start3A_435 : memref<8x1024xf32, #tpu.memory_space<hbm>>) target_semaphore(%dma_start3A_433 : memref<!tpu.dma_semaphore, #tpu.memory_space<semaphore_mem>>)
      %dma_wait3A_440 = arith.constant 1 : i32
      %dma_wait3A_441 = arith.constant 1 : i32
      %dma_wait3A_442 = arith.constant 0 : i32
      %dma_wait3A_443 = arith.constant 0 : i32
      %dma_wait3A_444 = tpu.memref_slice %arg6[%dma_wait3A_440, %dma_wait3A_442, %dma_wait3A_443] : memref<8x8x1024xf32, #tpu.memory_space<vmem>> -> memref<1x8x1024xf32, #tpu.memory_space<vmem>>
      %dma_wait3A_445 = tpu.memref_squeeze %dma_wait3A_444 : memref<1x8x1024xf32, #tpu.memory_space<vmem>> -> memref<8x1024xf32, #tpu.memory_space<vmem>>
      %dma_wait3A_446 = arith.constant 0 : i32
      %dma_wait3A_447 = tpu.memref_slice %arg4[%mul3A_2, %dma_wait3A_446] : memref<32768x1024xf32, #tpu.memory_space<hbm>> -> memref<8x1024xf32, #tpu.memory_space<hbm>>
      %dma_wait3A_448 = tpu.memref_slice %arg8[%dma_wait3A_441] : memref<8x!tpu.dma_semaphore, #tpu.memory_space<semaphore_mem>> -> memref<1x!tpu.dma_semaphore, #tpu.memory_space<semaphore_mem>>
      %dma_wait3A_449 = tpu.memref_squeeze %dma_wait3A_448 : memref<1x!tpu.dma_semaphore, #tpu.memory_space<semaphore_mem>> -> memref<!tpu.dma_semaphore, #tpu.memory_space<semaphore_mem>>
      %dma_wait3A_450 = arith.constant 0 : i32
      %dma_wait3A_451 = tpu.memref_slice %arg4[%mul3A_2, %dma_wait3A_450] : memref<32768x1024xf32, #tpu.memory_space<hbm>> -> memref<8x1024xf32, #tpu.memory_space<hbm>>
      %dma_wait3A_452 = arith.constant 0 : i32
      %dma_wait3A_453 = arith.constant 0 : i32
      %dma_wait3A_454 = tpu.memref_slice %arg6[%dma_wait3A_440, %dma_wait3A_452, %dma_wait3A_453] : memref<8x8x1024xf32, #tpu.memory_space<vmem>> -> memref<1x8x1024xf32, #tpu.memory_space<vmem>>
      %dma_wait3A_455 = tpu.memref_squeeze %dma_wait3A_454 : memref<1x8x1024xf32, #tpu.memory_space<vmem>> -> memref<8x1024xf32, #tpu.memory_space<vmem>>
      tpu.wait_dma2 semaphore(%dma_wait3A_449 : memref<!tpu.dma_semaphore, #tpu.memory_space<semaphore_mem>>) src(%dma_wait3A_455 : memref<8x1024xf32, #tpu.memory_space<vmem>>) dst(%dma_wait3A_451 : memref<8x1024xf32, #tpu.memory_space<hbm>>)
      %lt3A_456 = arith.constant 15 : i32
      %lt3A_457 = arith.cmpi slt, %scan3A_122, %lt3A_456 : i32
      %convert_element_type3A_458 = arith.extui %lt3A_457 : i1 to i32
      %cond3A_459 = arith.constant 0 : i32
      %cond3A_460 = arith.cmpi ne, %convert_element_type3A_458, %cond3A_459 : i32
      scf.if %cond3A_460 {
        %add3A_575 = arith.constant 4 : i32
        %add3A_576 = arith.addi %add3A_407, %add3A_575 : i32
        %mul3A_577 = arith.constant 8 : i32
        %mul3A_578 = arith.muli %add3A_576, %mul3A_577 : i32
        %dma_start3A_579 = arith.constant 1 : i32
        %dma_start3A_580 = arith.constant 1 : i32
        %dma_start3A_581 = arith.constant 0 : i32
        %dma_start3A_582 = arith.constant 0 : i32
        %dma_start3A_583 = tpu.memref_slice %arg6[%dma_start3A_579, %dma_start3A_581, %dma_start3A_582] : memref<8x8x1024xf32, #tpu.memory_space<vmem>> -> memref<1x8x1024xf32, #tpu.memory_space<vmem>>
        %dma_start3A_584 = tpu.memref_squeeze %dma_start3A_583 : memref<1x8x1024xf32, #tpu.memory_space<vmem>> -> memref<8x1024xf32, #tpu.memory_space<vmem>>
        %dma_start3A_585 = tpu.memref_slice %arg5[%mul3A_578] : memref<1024xi32, #tpu.memory_space<vmem>> -> memref<8xi32, #tpu.memory_space<vmem>>
        %dma_start3A_586 = arith.constant 0 : i32
        %dma_start3A_587 = arith.constant 0 : i32
        %dma_start3A_588 = tpu.memref_slice %arg3[%dma_start3A_586, %dma_start3A_587] : memref<8192x1024xf32, #tpu.memory_space<hbm>> -> memref<8192x1024xf32, #tpu.memory_space<hbm>>
        %dma_start3A_589 = tpu.memref_slice %arg7[%dma_start3A_580] : memref<8x!tpu.dma_semaphore, #tpu.memory_space<semaphore_mem>> -> memref<1x!tpu.dma_semaphore, #tpu.memory_space<semaphore_mem>>
        %dma_start3A_590 = tpu.memref_squeeze %dma_start3A_589 : memref<1x!tpu.dma_semaphore, #tpu.memory_space<semaphore_mem>> -> memref<!tpu.dma_semaphore, #tpu.memory_space<semaphore_mem>>
        tpu.enqueue_indirect_dma source(%dma_start3A_588 : memref<8192x1024xf32, #tpu.memory_space<hbm>>) target(%dma_start3A_584 : memref<8x1024xf32, #tpu.memory_space<vmem>>) offsets(%dma_start3A_585 : memref<8xi32, #tpu.memory_space<vmem>>) semaphore(%dma_start3A_590 : memref<!tpu.dma_semaphore, #tpu.memory_space<semaphore_mem>>)
      } else {
      }
      %mul3A_461 = arith.constant 8 : i32
      %mul3A_462 = arith.muli %scan3A_122, %mul3A_461 : i32
      %add3A_463 = arith.constant 6 : i32
      %add3A_464 = arith.addi %mul3A_462, %add3A_463 : i32
      %dma_wait3A_465 = arith.constant 6 : i32
      %dma_wait3A_466 = arith.constant 6 : i32
      %dma_wait3A_467 = arith.constant 0 : i32
      %dma_wait3A_468 = arith.constant 0 : i32
      %dma_wait3A_469 = tpu.memref_slice %arg6[%dma_wait3A_465, %dma_wait3A_467, %dma_wait3A_468] : memref<8x8x1024xf32, #tpu.memory_space<vmem>> -> memref<1x8x1024xf32, #tpu.memory_space<vmem>>
      %dma_wait3A_470 = tpu.memref_squeeze %dma_wait3A_469 : memref<1x8x1024xf32, #tpu.memory_space<vmem>> -> memref<8x1024xf32, #tpu.memory_space<vmem>>
      %dma_wait3A_471 = arith.constant 0 : i32
      %dma_wait3A_472 = tpu.memref_slice %arg5[%dma_wait3A_471] : memref<1024xi32, #tpu.memory_space<vmem>> -> memref<8xi32, #tpu.memory_space<vmem>>
      %dma_wait3A_473 = arith.constant 0 : i32
      %dma_wait3A_474 = arith.constant 0 : i32
      %dma_wait3A_475 = tpu.memref_slice %arg3[%dma_wait3A_473, %dma_wait3A_474] : memref<8192x1024xf32, #tpu.memory_space<hbm>> -> memref<8192x1024xf32, #tpu.memory_space<hbm>>
      %dma_wait3A_476 = tpu.memref_slice %arg7[%dma_wait3A_466] : memref<8x!tpu.dma_semaphore, #tpu.memory_space<semaphore_mem>> -> memref<1x!tpu.dma_semaphore, #tpu.memory_space<semaphore_mem>>
      %dma_wait3A_477 = tpu.memref_squeeze %dma_wait3A_476 : memref<1x!tpu.dma_semaphore, #tpu.memory_space<semaphore_mem>> -> memref<!tpu.dma_semaphore, #tpu.memory_space<semaphore_mem>>
      tpu.wait_indirect_dma semaphore(%dma_wait3A_477 : memref<!tpu.dma_semaphore, #tpu.memory_space<semaphore_mem>>) src(%dma_wait3A_475 : memref<8192x1024xf32, #tpu.memory_space<hbm>>) dst(%dma_wait3A_470 : memref<8x1024xf32, #tpu.memory_space<vmem>>)
      %mul3A_478 = arith.constant 8 : i32
      %mul3A_479 = arith.muli %add3A_464, %mul3A_478 : i32
      %add3A_480 = arith.addi %mul3A_2, %mul3A_479 : i32
      %dma_start3A_481 = arith.constant 6 : i32
      %dma_start3A_482 = arith.constant 6 : i32
      %dma_start3A_483 = arith.constant 0 : i32
      %dma_start3A_484 = arith.constant 0 : i32
      %dma_start3A_485 = tpu.memref_slice %arg6[%dma_start3A_481, %dma_start3A_483, %dma_start3A_484] : memref<8x8x1024xf32, #tpu.memory_space<vmem>> -> memref<1x8x1024xf32, #tpu.memory_space<vmem>>
      %dma_start3A_486 = tpu.memref_squeeze %dma_start3A_485 : memref<1x8x1024xf32, #tpu.memory_space<vmem>> -> memref<8x1024xf32, #tpu.memory_space<vmem>>
      %dma_start3A_487 = arith.constant 0 : i32
      %dma_start3A_488 = tpu.memref_slice %arg4[%add3A_480, %dma_start3A_487] : memref<32768x1024xf32, #tpu.memory_space<hbm>> -> memref<8x1024xf32, #tpu.memory_space<hbm>>
      %dma_start3A_489 = tpu.memref_slice %arg8[%dma_start3A_482] : memref<8x!tpu.dma_semaphore, #tpu.memory_space<semaphore_mem>> -> memref<1x!tpu.dma_semaphore, #tpu.memory_space<semaphore_mem>>
      %dma_start3A_490 = tpu.memref_squeeze %dma_start3A_489 : memref<1x!tpu.dma_semaphore, #tpu.memory_space<semaphore_mem>> -> memref<!tpu.dma_semaphore, #tpu.memory_space<semaphore_mem>>
      %dma_start3A_491 = arith.constant 0 : i32
      %dma_start3A_492 = tpu.memref_slice %arg4[%add3A_480, %dma_start3A_491] : memref<32768x1024xf32, #tpu.memory_space<hbm>> -> memref<8x1024xf32, #tpu.memory_space<hbm>>
      %dma_start3A_493 = arith.constant 0 : i32
      %dma_start3A_494 = arith.constant 0 : i32
      %dma_start3A_495 = tpu.memref_slice %arg6[%dma_start3A_481, %dma_start3A_493, %dma_start3A_494] : memref<8x8x1024xf32, #tpu.memory_space<vmem>> -> memref<1x8x1024xf32, #tpu.memory_space<vmem>>
      %dma_start3A_496 = tpu.memref_squeeze %dma_start3A_495 : memref<1x8x1024xf32, #tpu.memory_space<vmem>> -> memref<8x1024xf32, #tpu.memory_space<vmem>>
      tpu.enqueue_dma source(%dma_start3A_496 : memref<8x1024xf32, #tpu.memory_space<vmem>>) target(%dma_start3A_492 : memref<8x1024xf32, #tpu.memory_space<hbm>>) target_semaphore(%dma_start3A_490 : memref<!tpu.dma_semaphore, #tpu.memory_space<semaphore_mem>>)
      %dma_wait3A_497 = arith.constant 2 : i32
      %dma_wait3A_498 = arith.constant 2 : i32
      %dma_wait3A_499 = arith.constant 0 : i32
      %dma_wait3A_500 = arith.constant 0 : i32
      %dma_wait3A_501 = tpu.memref_slice %arg6[%dma_wait3A_497, %dma_wait3A_499, %dma_wait3A_500] : memref<8x8x1024xf32, #tpu.memory_space<vmem>> -> memref<1x8x1024xf32, #tpu.memory_space<vmem>>
      %dma_wait3A_502 = tpu.memref_squeeze %dma_wait3A_501 : memref<1x8x1024xf32, #tpu.memory_space<vmem>> -> memref<8x1024xf32, #tpu.memory_space<vmem>>
      %dma_wait3A_503 = arith.constant 0 : i32
      %dma_wait3A_504 = tpu.memref_slice %arg4[%mul3A_2, %dma_wait3A_503] : memref<32768x1024xf32, #tpu.memory_space<hbm>> -> memref<8x1024xf32, #tpu.memory_space<hbm>>
      %dma_wait3A_505 = tpu.memref_slice %arg8[%dma_wait3A_498] : memref<8x!tpu.dma_semaphore, #tpu.memory_space<semaphore_mem>> -> memref<1x!tpu.dma_semaphore, #tpu.memory_space<semaphore_mem>>
      %dma_wait3A_506 = tpu.memref_squeeze %dma_wait3A_505 : memref<1x!tpu.dma_semaphore, #tpu.memory_space<semaphore_mem>> -> memref<!tpu.dma_semaphore, #tpu.memory_space<semaphore_mem>>
      %dma_wait3A_507 = arith.constant 0 : i32
      %dma_wait3A_508 = tpu.memref_slice %arg4[%mul3A_2, %dma_wait3A_507] : memref<32768x1024xf32, #tpu.memory_space<hbm>> -> memref<8x1024xf32, #tpu.memory_space<hbm>>
      %dma_wait3A_509 = arith.constant 0 : i32
      %dma_wait3A_510 = arith.constant 0 : i32
      %dma_wait3A_511 = tpu.memref_slice %arg6[%dma_wait3A_497, %dma_wait3A_509, %dma_wait3A_510] : memref<8x8x1024xf32, #tpu.memory_space<vmem>> -> memref<1x8x1024xf32, #tpu.memory_space<vmem>>
      %dma_wait3A_512 = tpu.memref_squeeze %dma_wait3A_511 : memref<1x8x1024xf32, #tpu.memory_space<vmem>> -> memref<8x1024xf32, #tpu.memory_space<vmem>>
      tpu.wait_dma2 semaphore(%dma_wait3A_506 : memref<!tpu.dma_semaphore, #tpu.memory_space<semaphore_mem>>) src(%dma_wait3A_512 : memref<8x1024xf32, #tpu.memory_space<vmem>>) dst(%dma_wait3A_508 : memref<8x1024xf32, #tpu.memory_space<hbm>>)
      %lt3A_513 = arith.constant 15 : i32
      %lt3A_514 = arith.cmpi slt, %scan3A_122, %lt3A_513 : i32
      %convert_element_type3A_515 = arith.extui %lt3A_514 : i1 to i32
      %cond3A_516 = arith.constant 0 : i32
      %cond3A_517 = arith.cmpi ne, %convert_element_type3A_515, %cond3A_516 : i32
      scf.if %cond3A_517 {
        %add3A_575 = arith.constant 4 : i32
        %add3A_576 = arith.addi %add3A_464, %add3A_575 : i32
        %mul3A_577 = arith.constant 8 : i32
        %mul3A_578 = arith.muli %add3A_576, %mul3A_577 : i32
        %dma_start3A_579 = arith.constant 2 : i32
        %dma_start3A_580 = arith.constant 2 : i32
        %dma_start3A_581 = arith.constant 0 : i32
        %dma_start3A_582 = arith.constant 0 : i32
        %dma_start3A_583 = tpu.memref_slice %arg6[%dma_start3A_579, %dma_start3A_581, %dma_start3A_582] : memref<8x8x1024xf32, #tpu.memory_space<vmem>> -> memref<1x8x1024xf32, #tpu.memory_space<vmem>>
        %dma_start3A_584 = tpu.memref_squeeze %dma_start3A_583 : memref<1x8x1024xf32, #tpu.memory_space<vmem>> -> memref<8x1024xf32, #tpu.memory_space<vmem>>
        %dma_start3A_585 = tpu.memref_slice %arg5[%mul3A_578] : memref<1024xi32, #tpu.memory_space<vmem>> -> memref<8xi32, #tpu.memory_space<vmem>>
        %dma_start3A_586 = arith.constant 0 : i32
        %dma_start3A_587 = arith.constant 0 : i32
        %dma_start3A_588 = tpu.memref_slice %arg3[%dma_start3A_586, %dma_start3A_587] : memref<8192x1024xf32, #tpu.memory_space<hbm>> -> memref<8192x1024xf32, #tpu.memory_space<hbm>>
        %dma_start3A_589 = tpu.memref_slice %arg7[%dma_start3A_580] : memref<8x!tpu.dma_semaphore, #tpu.memory_space<semaphore_mem>> -> memref<1x!tpu.dma_semaphore, #tpu.memory_space<semaphore_mem>>
        %dma_start3A_590 = tpu.memref_squeeze %dma_start3A_589 : memref<1x!tpu.dma_semaphore, #tpu.memory_space<semaphore_mem>> -> memref<!tpu.dma_semaphore, #tpu.memory_space<semaphore_mem>>
        tpu.enqueue_indirect_dma source(%dma_start3A_588 : memref<8192x1024xf32, #tpu.memory_space<hbm>>) target(%dma_start3A_584 : memref<8x1024xf32, #tpu.memory_space<vmem>>) offsets(%dma_start3A_585 : memref<8xi32, #tpu.memory_space<vmem>>) semaphore(%dma_start3A_590 : memref<!tpu.dma_semaphore, #tpu.memory_space<semaphore_mem>>)
      } else {
      }
      %mul3A_518 = arith.constant 8 : i32
      %mul3A_519 = arith.muli %scan3A_122, %mul3A_518 : i32
      %add3A_520 = arith.constant 7 : i32
      %add3A_521 = arith.addi %mul3A_519, %add3A_520 : i32
      %dma_wait3A_522 = arith.constant 7 : i32
      %dma_wait3A_523 = arith.constant 7 : i32
      %dma_wait3A_524 = arith.constant 0 : i32
      %dma_wait3A_525 = arith.constant 0 : i32
      %dma_wait3A_526 = tpu.memref_slice %arg6[%dma_wait3A_522, %dma_wait3A_524, %dma_wait3A_525] : memref<8x8x1024xf32, #tpu.memory_space<vmem>> -> memref<1x8x1024xf32, #tpu.memory_space<vmem>>
      %dma_wait3A_527 = tpu.memref_squeeze %dma_wait3A_526 : memref<1x8x1024xf32, #tpu.memory_space<vmem>> -> memref<8x1024xf32, #tpu.memory_space<vmem>>
      %dma_wait3A_528 = arith.constant 0 : i32
      %dma_wait3A_529 = tpu.memref_slice %arg5[%dma_wait3A_528] : memref<1024xi32, #tpu.memory_space<vmem>> -> memref<8xi32, #tpu.memory_space<vmem>>
      %dma_wait3A_530 = arith.constant 0 : i32
      %dma_wait3A_531 = arith.constant 0 : i32
      %dma_wait3A_532 = tpu.memref_slice %arg3[%dma_wait3A_530, %dma_wait3A_531] : memref<8192x1024xf32, #tpu.memory_space<hbm>> -> memref<8192x1024xf32, #tpu.memory_space<hbm>>
      %dma_wait3A_533 = tpu.memref_slice %arg7[%dma_wait3A_523] : memref<8x!tpu.dma_semaphore, #tpu.memory_space<semaphore_mem>> -> memref<1x!tpu.dma_semaphore, #tpu.memory_space<semaphore_mem>>
      %dma_wait3A_534 = tpu.memref_squeeze %dma_wait3A_533 : memref<1x!tpu.dma_semaphore, #tpu.memory_space<semaphore_mem>> -> memref<!tpu.dma_semaphore, #tpu.memory_space<semaphore_mem>>
      tpu.wait_indirect_dma semaphore(%dma_wait3A_534 : memref<!tpu.dma_semaphore, #tpu.memory_space<semaphore_mem>>) src(%dma_wait3A_532 : memref<8192x1024xf32, #tpu.memory_space<hbm>>) dst(%dma_wait3A_527 : memref<8x1024xf32, #tpu.memory_space<vmem>>)
      %mul3A_535 = arith.constant 8 : i32
      %mul3A_536 = arith.muli %add3A_521, %mul3A_535 : i32
      %add3A_537 = arith.addi %mul3A_2, %mul3A_536 : i32
      %dma_start3A_538 = arith.constant 7 : i32
      %dma_start3A_539 = arith.constant 7 : i32
      %dma_start3A_540 = arith.constant 0 : i32
      %dma_start3A_541 = arith.constant 0 : i32
      %dma_start3A_542 = tpu.memref_slice %arg6[%dma_start3A_538, %dma_start3A_540, %dma_start3A_541] : memref<8x8x1024xf32, #tpu.memory_space<vmem>> -> memref<1x8x1024xf32, #tpu.memory_space<vmem>>
      %dma_start3A_543 = tpu.memref_squeeze %dma_start3A_542 : memref<1x8x1024xf32, #tpu.memory_space<vmem>> -> memref<8x1024xf32, #tpu.memory_space<vmem>>
      %dma_start3A_544 = arith.constant 0 : i32
      %dma_start3A_545 = tpu.memref_slice %arg4[%add3A_537, %dma_start3A_544] : memref<32768x1024xf32, #tpu.memory_space<hbm>> -> memref<8x1024xf32, #tpu.memory_space<hbm>>
      %dma_start3A_546 = tpu.memref_slice %arg8[%dma_start3A_539] : memref<8x!tpu.dma_semaphore, #tpu.memory_space<semaphore_mem>> -> memref<1x!tpu.dma_semaphore, #tpu.memory_space<semaphore_mem>>
      %dma_start3A_547 = tpu.memref_squeeze %dma_start3A_546 : memref<1x!tpu.dma_semaphore, #tpu.memory_space<semaphore_mem>> -> memref<!tpu.dma_semaphore, #tpu.memory_space<semaphore_mem>>
      %dma_start3A_548 = arith.constant 0 : i32
      %dma_start3A_549 = tpu.memref_slice %arg4[%add3A_537, %dma_start3A_548] : memref<32768x1024xf32, #tpu.memory_space<hbm>> -> memref<8x1024xf32, #tpu.memory_space<hbm>>
      %dma_start3A_550 = arith.constant 0 : i32
      %dma_start3A_551 = arith.constant 0 : i32
      %dma_start3A_552 = tpu.memref_slice %arg6[%dma_start3A_538, %dma_start3A_550, %dma_start3A_551] : memref<8x8x1024xf32, #tpu.memory_space<vmem>> -> memref<1x8x1024xf32, #tpu.memory_space<vmem>>
      %dma_start3A_553 = tpu.memref_squeeze %dma_start3A_552 : memref<1x8x1024xf32, #tpu.memory_space<vmem>> -> memref<8x1024xf32, #tpu.memory_space<vmem>>
      tpu.enqueue_dma source(%dma_start3A_553 : memref<8x1024xf32, #tpu.memory_space<vmem>>) target(%dma_start3A_549 : memref<8x1024xf32, #tpu.memory_space<hbm>>) target_semaphore(%dma_start3A_547 : memref<!tpu.dma_semaphore, #tpu.memory_space<semaphore_mem>>)
      %dma_wait3A_554 = arith.constant 3 : i32
      %dma_wait3A_555 = arith.constant 3 : i32
      %dma_wait3A_556 = arith.constant 0 : i32
      %dma_wait3A_557 = arith.constant 0 : i32
      %dma_wait3A_558 = tpu.memref_slice %arg6[%dma_wait3A_554, %dma_wait3A_556, %dma_wait3A_557] : memref<8x8x1024xf32, #tpu.memory_space<vmem>> -> memref<1x8x1024xf32, #tpu.memory_space<vmem>>
      %dma_wait3A_559 = tpu.memref_squeeze %dma_wait3A_558 : memref<1x8x1024xf32, #tpu.memory_space<vmem>> -> memref<8x1024xf32, #tpu.memory_space<vmem>>
      %dma_wait3A_560 = arith.constant 0 : i32
      %dma_wait3A_561 = tpu.memref_slice %arg4[%mul3A_2, %dma_wait3A_560] : memref<32768x1024xf32, #tpu.memory_space<hbm>> -> memref<8x1024xf32, #tpu.memory_space<hbm>>
      %dma_wait3A_562 = tpu.memref_slice %arg8[%dma_wait3A_555] : memref<8x!tpu.dma_semaphore, #tpu.memory_space<semaphore_mem>> -> memref<1x!tpu.dma_semaphore, #tpu.memory_space<semaphore_mem>>
      %dma_wait3A_563 = tpu.memref_squeeze %dma_wait3A_562 : memref<1x!tpu.dma_semaphore, #tpu.memory_space<semaphore_mem>> -> memref<!tpu.dma_semaphore, #tpu.memory_space<semaphore_mem>>
      %dma_wait3A_564 = arith.constant 0 : i32
      %dma_wait3A_565 = tpu.memref_slice %arg4[%mul3A_2, %dma_wait3A_564] : memref<32768x1024xf32, #tpu.memory_space<hbm>> -> memref<8x1024xf32, #tpu.memory_space<hbm>>
      %dma_wait3A_566 = arith.constant 0 : i32
      %dma_wait3A_567 = arith.constant 0 : i32
      %dma_wait3A_568 = tpu.memref_slice %arg6[%dma_wait3A_554, %dma_wait3A_566, %dma_wait3A_567] : memref<8x8x1024xf32, #tpu.memory_space<vmem>> -> memref<1x8x1024xf32, #tpu.memory_space<vmem>>
      %dma_wait3A_569 = tpu.memref_squeeze %dma_wait3A_568 : memref<1x8x1024xf32, #tpu.memory_space<vmem>> -> memref<8x1024xf32, #tpu.memory_space<vmem>>
      tpu.wait_dma2 semaphore(%dma_wait3A_563 : memref<!tpu.dma_semaphore, #tpu.memory_space<semaphore_mem>>) src(%dma_wait3A_569 : memref<8x1024xf32, #tpu.memory_space<vmem>>) dst(%dma_wait3A_565 : memref<8x1024xf32, #tpu.memory_space<hbm>>)
      %lt3A_570 = arith.constant 15 : i32
      %lt3A_571 = arith.cmpi slt, %scan3A_122, %lt3A_570 : i32
      %convert_element_type3A_572 = arith.extui %lt3A_571 : i1 to i32
      %cond3A_573 = arith.constant 0 : i32
      %cond3A_574 = arith.cmpi ne, %convert_element_type3A_572, %cond3A_573 : i32
      scf.if %cond3A_574 {
        %add3A_575 = arith.constant 4 : i32
        %add3A_576 = arith.addi %add3A_521, %add3A_575 : i32
        %mul3A_577 = arith.constant 8 : i32
        %mul3A_578 = arith.muli %add3A_576, %mul3A_577 : i32
        %dma_start3A_579 = arith.constant 3 : i32
        %dma_start3A_580 = arith.constant 3 : i32
        %dma_start3A_581 = arith.constant 0 : i32
        %dma_start3A_582 = arith.constant 0 : i32
        %dma_start3A_583 = tpu.memref_slice %arg6[%dma_start3A_579, %dma_start3A_581, %dma_start3A_582] : memref<8x8x1024xf32, #tpu.memory_space<vmem>> -> memref<1x8x1024xf32, #tpu.memory_space<vmem>>
        %dma_start3A_584 = tpu.memref_squeeze %dma_start3A_583 : memref<1x8x1024xf32, #tpu.memory_space<vmem>> -> memref<8x1024xf32, #tpu.memory_space<vmem>>
        %dma_start3A_585 = tpu.memref_slice %arg5[%mul3A_578] : memref<1024xi32, #tpu.memory_space<vmem>> -> memref<8xi32, #tpu.memory_space<vmem>>
        %dma_start3A_586 = arith.constant 0 : i32
        %dma_start3A_587 = arith.constant 0 : i32
        %dma_start3A_588 = tpu.memref_slice %arg3[%dma_start3A_586, %dma_start3A_587] : memref<8192x1024xf32, #tpu.memory_space<hbm>> -> memref<8192x1024xf32, #tpu.memory_space<hbm>>
        %dma_start3A_589 = tpu.memref_slice %arg7[%dma_start3A_580] : memref<8x!tpu.dma_semaphore, #tpu.memory_space<semaphore_mem>> -> memref<1x!tpu.dma_semaphore, #tpu.memory_space<semaphore_mem>>
        %dma_start3A_590 = tpu.memref_squeeze %dma_start3A_589 : memref<1x!tpu.dma_semaphore, #tpu.memory_space<semaphore_mem>> -> memref<!tpu.dma_semaphore, #tpu.memory_space<semaphore_mem>>
        tpu.enqueue_indirect_dma source(%dma_start3A_588 : memref<8192x1024xf32, #tpu.memory_space<hbm>>) target(%dma_start3A_584 : memref<8x1024xf32, #tpu.memory_space<vmem>>) offsets(%dma_start3A_585 : memref<8xi32, #tpu.memory_space<vmem>>) semaphore(%dma_start3A_590 : memref<!tpu.dma_semaphore, #tpu.memory_space<semaphore_mem>>)
      } else {
      }
    }
    %scan3A_58 = arith.constant 16 : i32
    %dma_wait3A = arith.constant 4 : i32
    %dma_wait3A_59 = arith.constant 4 : i32
    %dma_wait3A_60 = arith.constant 0 : i32
    %dma_wait3A_61 = arith.constant 0 : i32
    %dma_wait3A_62 = tpu.memref_slice %arg6[%dma_wait3A, %dma_wait3A_60, %dma_wait3A_61] : memref<8x8x1024xf32, #tpu.memory_space<vmem>> -> memref<1x8x1024xf32, #tpu.memory_space<vmem>>
    %dma_wait3A_63 = tpu.memref_squeeze %dma_wait3A_62 : memref<1x8x1024xf32, #tpu.memory_space<vmem>> -> memref<8x1024xf32, #tpu.memory_space<vmem>>
    %dma_wait3A_64 = arith.constant 0 : i32
    %dma_wait3A_65 = tpu.memref_slice %arg4[%mul3A_2, %dma_wait3A_64] : memref<32768x1024xf32, #tpu.memory_space<hbm>> -> memref<8x1024xf32, #tpu.memory_space<hbm>>
    %dma_wait3A_66 = tpu.memref_slice %arg8[%dma_wait3A_59] : memref<8x!tpu.dma_semaphore, #tpu.memory_space<semaphore_mem>> -> memref<1x!tpu.dma_semaphore, #tpu.memory_space<semaphore_mem>>
    %dma_wait3A_67 = tpu.memref_squeeze %dma_wait3A_66 : memref<1x!tpu.dma_semaphore, #tpu.memory_space<semaphore_mem>> -> memref<!tpu.dma_semaphore, #tpu.memory_space<semaphore_mem>>
    %dma_wait3A_68 = arith.constant 0 : i32
    %dma_wait3A_69 = tpu.memref_slice %arg4[%mul3A_2, %dma_wait3A_68] : memref<32768x1024xf32, #tpu.memory_space<hbm>> -> memref<8x1024xf32, #tpu.memory_space<hbm>>
    %dma_wait3A_70 = arith.constant 0 : i32
    %dma_wait3A_71 = arith.constant 0 : i32
    %dma_wait3A_72 = tpu.memref_slice %arg6[%dma_wait3A, %dma_wait3A_70, %dma_wait3A_71] : memref<8x8x1024xf32, #tpu.memory_space<vmem>> -> memref<1x8x1024xf32, #tpu.memory_space<vmem>>
    %dma_wait3A_73 = tpu.memref_squeeze %dma_wait3A_72 : memref<1x8x1024xf32, #tpu.memory_space<vmem>> -> memref<8x1024xf32, #tpu.memory_space<vmem>>
    tpu.wait_dma2 semaphore(%dma_wait3A_67 : memref<!tpu.dma_semaphore, #tpu.memory_space<semaphore_mem>>) src(%dma_wait3A_73 : memref<8x1024xf32, #tpu.memory_space<vmem>>) dst(%dma_wait3A_69 : memref<8x1024xf32, #tpu.memory_space<hbm>>)
    %dma_wait3A_74 = arith.constant 5 : i32
    %dma_wait3A_75 = arith.constant 5 : i32
    %dma_wait3A_76 = arith.constant 0 : i32
    %dma_wait3A_77 = arith.constant 0 : i32
    %dma_wait3A_78 = tpu.memref_slice %arg6[%dma_wait3A_74, %dma_wait3A_76, %dma_wait3A_77] : memref<8x8x1024xf32, #tpu.memory_space<vmem>> -> memref<1x8x1024xf32, #tpu.memory_space<vmem>>
    %dma_wait3A_79 = tpu.memref_squeeze %dma_wait3A_78 : memref<1x8x1024xf32, #tpu.memory_space<vmem>> -> memref<8x1024xf32, #tpu.memory_space<vmem>>
    %dma_wait3A_80 = arith.constant 0 : i32
    %dma_wait3A_81 = tpu.memref_slice %arg4[%mul3A_2, %dma_wait3A_80] : memref<32768x1024xf32, #tpu.memory_space<hbm>> -> memref<8x1024xf32, #tpu.memory_space<hbm>>
    %dma_wait3A_82 = tpu.memref_slice %arg8[%dma_wait3A_75] : memref<8x!tpu.dma_semaphore, #tpu.memory_space<semaphore_mem>> -> memref<1x!tpu.dma_semaphore, #tpu.memory_space<semaphore_mem>>
    %dma_wait3A_83 = tpu.memref_squeeze %dma_wait3A_82 : memref<1x!tpu.dma_semaphore, #tpu.memory_space<semaphore_mem>> -> memref<!tpu.dma_semaphore, #tpu.memory_space<semaphore_mem>>
    %dma_wait3A_84 = arith.constant 0 : i32
    %dma_wait3A_85 = tpu.memref_slice %arg4[%mul3A_2, %dma_wait3A_84] : memref<32768x1024xf32, #tpu.memory_space<hbm>> -> memref<8x1024xf32, #tpu.memory_space<hbm>>
    %dma_wait3A_86 = arith.constant 0 : i32
    %dma_wait3A_87 = arith.constant 0 : i32
    %dma_wait3A_88 = tpu.memref_slice %arg6[%dma_wait3A_74, %dma_wait3A_86, %dma_wait3A_87] : memref<8x8x1024xf32, #tpu.memory_space<vmem>> -> memref<1x8x1024xf32, #tpu.memory_space<vmem>>
    %dma_wait3A_89 = tpu.memref_squeeze %dma_wait3A_88 : memref<1x8x1024xf32, #tpu.memory_space<vmem>> -> memref<8x1024xf32, #tpu.memory_space<vmem>>
    tpu.wait_dma2 semaphore(%dma_wait3A_83 : memref<!tpu.dma_semaphore, #tpu.memory_space<semaphore_mem>>) src(%dma_wait3A_89 : memref<8x1024xf32, #tpu.memory_space<vmem>>) dst(%dma_wait3A_85 : memref<8x1024xf32, #tpu.memory_space<hbm>>)
    %dma_wait3A_90 = arith.constant 6 : i32
    %dma_wait3A_91 = arith.constant 6 : i32
    %dma_wait3A_92 = arith.constant 0 : i32
    %dma_wait3A_93 = arith.constant 0 : i32
    %dma_wait3A_94 = tpu.memref_slice %arg6[%dma_wait3A_90, %dma_wait3A_92, %dma_wait3A_93] : memref<8x8x1024xf32, #tpu.memory_space<vmem>> -> memref<1x8x1024xf32, #tpu.memory_space<vmem>>
    %dma_wait3A_95 = tpu.memref_squeeze %dma_wait3A_94 : memref<1x8x1024xf32, #tpu.memory_space<vmem>> -> memref<8x1024xf32, #tpu.memory_space<vmem>>
    %dma_wait3A_96 = arith.constant 0 : i32
    %dma_wait3A_97 = tpu.memref_slice %arg4[%mul3A_2, %dma_wait3A_96] : memref<32768x1024xf32, #tpu.memory_space<hbm>> -> memref<8x1024xf32, #tpu.memory_space<hbm>>
    %dma_wait3A_98 = tpu.memref_slice %arg8[%dma_wait3A_91] : memref<8x!tpu.dma_semaphore, #tpu.memory_space<semaphore_mem>> -> memref<1x!tpu.dma_semaphore, #tpu.memory_space<semaphore_mem>>
    %dma_wait3A_99 = tpu.memref_squeeze %dma_wait3A_98 : memref<1x!tpu.dma_semaphore, #tpu.memory_space<semaphore_mem>> -> memref<!tpu.dma_semaphore, #tpu.memory_space<semaphore_mem>>
    %dma_wait3A_100 = arith.constant 0 : i32
    %dma_wait3A_101 = tpu.memref_slice %arg4[%mul3A_2, %dma_wait3A_100] : memref<32768x1024xf32, #tpu.memory_space<hbm>> -> memref<8x1024xf32, #tpu.memory_space<hbm>>
    %dma_wait3A_102 = arith.constant 0 : i32
    %dma_wait3A_103 = arith.constant 0 : i32
    %dma_wait3A_104 = tpu.memref_slice %arg6[%dma_wait3A_90, %dma_wait3A_102, %dma_wait3A_103] : memref<8x8x1024xf32, #tpu.memory_space<vmem>> -> memref<1x8x1024xf32, #tpu.memory_space<vmem>>
    %dma_wait3A_105 = tpu.memref_squeeze %dma_wait3A_104 : memref<1x8x1024xf32, #tpu.memory_space<vmem>> -> memref<8x1024xf32, #tpu.memory_space<vmem>>
    tpu.wait_dma2 semaphore(%dma_wait3A_99 : memref<!tpu.dma_semaphore, #tpu.memory_space<semaphore_mem>>) src(%dma_wait3A_105 : memref<8x1024xf32, #tpu.memory_space<vmem>>) dst(%dma_wait3A_101 : memref<8x1024xf32, #tpu.memory_space<hbm>>)
    %dma_wait3A_106 = arith.constant 7 : i32
    %dma_wait3A_107 = arith.constant 7 : i32
    %dma_wait3A_108 = arith.constant 0 : i32
    %dma_wait3A_109 = arith.constant 0 : i32
    %dma_wait3A_110 = tpu.memref_slice %arg6[%dma_wait3A_106, %dma_wait3A_108, %dma_wait3A_109] : memref<8x8x1024xf32, #tpu.memory_space<vmem>> -> memref<1x8x1024xf32, #tpu.memory_space<vmem>>
    %dma_wait3A_111 = tpu.memref_squeeze %dma_wait3A_110 : memref<1x8x1024xf32, #tpu.memory_space<vmem>> -> memref<8x1024xf32, #tpu.memory_space<vmem>>
    %dma_wait3A_112 = arith.constant 0 : i32
    %dma_wait3A_113 = tpu.memref_slice %arg4[%mul3A_2, %dma_wait3A_112] : memref<32768x1024xf32, #tpu.memory_space<hbm>> -> memref<8x1024xf32, #tpu.memory_space<hbm>>
    %dma_wait3A_114 = tpu.memref_slice %arg8[%dma_wait3A_107] : memref<8x!tpu.dma_semaphore, #tpu.memory_space<semaphore_mem>> -> memref<1x!tpu.dma_semaphore, #tpu.memory_space<semaphore_mem>>
    %dma_wait3A_115 = tpu.memref_squeeze %dma_wait3A_114 : memref<1x!tpu.dma_semaphore, #tpu.memory_space<semaphore_mem>> -> memref<!tpu.dma_semaphore, #tpu.memory_space<semaphore_mem>>
    %dma_wait3A_116 = arith.constant 0 : i32
    %dma_wait3A_117 = tpu.memref_slice %arg4[%mul3A_2, %dma_wait3A_116] : memref<32768x1024xf32, #tpu.memory_space<hbm>> -> memref<8x1024xf32, #tpu.memory_space<hbm>>
    %dma_wait3A_118 = arith.constant 0 : i32
    %dma_wait3A_119 = arith.constant 0 : i32
    %dma_wait3A_120 = tpu.memref_slice %arg6[%dma_wait3A_106, %dma_wait3A_118, %dma_wait3A_119] : memref<8x8x1024xf32, #tpu.memory_space<vmem>> -> memref<1x8x1024xf32, #tpu.memory_space<vmem>>
    %dma_wait3A_121 = tpu.memref_squeeze %dma_wait3A_120 : memref<1x8x1024xf32, #tpu.memory_space<vmem>> -> memref<8x1024xf32, #tpu.memory_space<vmem>>
    tpu.wait_dma2 semaphore(%dma_wait3A_115 : memref<!tpu.dma_semaphore, #tpu.memory_space<semaphore_mem>>) src(%dma_wait3A_121 : memref<8x1024xf32, #tpu.memory_space<vmem>>) dst(%dma_wait3A_117 : memref<8x1024xf32, #tpu.memory_space<hbm>>)
    return
  }
}

</mosaic_0001>

<sc_bundles>
// kernel: _lookup.3.cloned.1.call-start
scs
__scs_entry_jumppad:
0x0: {  	(pc) =	sbr.rel $0x88, $3  }
0x1: {  	(tag) =	ssettag $0x0;
	lr =	simm.s32 $0x1  }
0x2: {  	[smem:$0x3F9F] =	sst lr;
	_ =	strace $0xD0000000  }
0x3: {  	_ = 	snop  }
0x4: {  	_ = 	snop  }
0x5: {  	_ = 	snop  }
0x6: {  	_ = 	snop  }
0x7: {  	_ = 	snop  }
__scs_overlays_trampoline_lowered:
0x8: {  	[smem:$0x3FAE] =	sst s0  }
0x9: {  	[smem:$0x3FAF] =	sst s1  }
0xa: {  	[smem:$0x3FB0] =	sst s2  }
0xb: {  	[smem:$0x3FB1] =	sst s3  }
0xc: {  	[smem:$0x3FB2] =	sst s4  }
0xd: {  	[smem:$0x3FB3] =	sst s5  }
0xe: {  	[smem:$0x3FB4] =	sst s6  }
0xf: {  	[smem:$0x3FB5] =	sst s7  }
0x10: {  	[smem:$0x3FB6] =	sst s8  }
0x11: {  	[smem:$0x3FB7] =	sst s9;
	s0 =	simm.s32 @!p0 $0x0  }
0x12: {  	s1 =	sld [smem:$0x3F9D];
	s0 =	simm.s32 @p0 $0x1  }
0x13: {  	[smem:$0x3FB8] =	sst s0;
	s0 =	simm.s32 @!p1 $0x0  }
0x14: {  	s2 =	sld [smem:$0x3F9C];
	s0 =	simm.s32 @p1 $0x1  }
0x15: {  	[smem:$0x3FB9] =	sst s0;
	s0 =	simm.s32 @!p2 $0x0  }
0x16: {  	s3 =	sld [smem:$0x3FDB];
	s0 =	simm.s32 @p2 $0x1  }
0x17: {  	s4 =	simm.s32 $0x1BF5;
	[smem:$0x3FBB] =	sst s0  }
0x18: {  	s0 =	sld [smem:$0x3F9E];
	_ =	swait.ge [sflag:s4], $0x0  }
0x19: {  	s7 =	sld [smem:$0x3F9F]  }
0x1a: {  	s8 =	sadd.s32 $0xFFFFE003, lr  }
0x1b: {  	s9 =	sadd.s32 $0xFFFFFEF7, lr;
	s5 =	simm.s32 $0xFFFFFFFF;
	p2 =	slt.u32 s8, $0xFFFFF086  }
0x1c: {  	p1 =	slt.u32 s9, $0xF7A;
	s5 =	simm.s32 @!p2 $0x0  }
0x1d: {  	s5 =	simm.s32 @p1 $0x1;
	p0 =	seq.s32 s7, s2  }
0x1e: {  	s7 =	smul.u32 @!p0 $0xF7A, s2;
	p2 =	seq.s32 @!p0 s5, $0x0  }
0x1f: {  	s9 =	smul.u32 $0xF7A, s1;
	s8 =	simm.s32 @!p0 $0x1BF5;
	p2 =	por !p2, p0  }
0x20: {  	[sflag:s8] =	ssyncset.s32 @!p0 $0xFFFFF086;
	s6 =	sadd.s32 @!p0 s3, s7;
	s7 =	simm.s32 @!p0 $0x108  }
0x21: {  	s3 =	sadd.s32 s3, s9;
	s6 =	sadd.s32 @!p0 $0x88, s6;
	s7 =	simm.s32 @p2 $0x1082  }
0x22: {  	[simem:s7], [sflag:s8] =	dma.local @!p0 [hbm:s6], $0xF7A  }
0x23: {  	s9 =	sor.u32 $0xD0000000, s2;
	s6 =	simm.s32 $0x108;
	_ =	swait.ge @!p0 [sflag:s8], $0x0  }
0x24: {  	s3 =	sadd.s32 $0x88, s3;
	s6 =	simm.s32 @!p1 $0x1082;
	[sflag:s4] =	ssyncset.s32 $0xFFFFF086  }
0x25: {  	[simem:s6], [sflag:s4] =	dma.local [hbm:s3], $0xF7A  }
0x26: {  	[smem:$0x3F9F] =	sst s1;
	(tag) =	ssettag s2;
	_ =	strace s9  }
0x27: {  	s1 =	sld [smem:$0x3FAF]  }
0x28: {  	s2 =	sld [smem:$0x3FB0]  }
0x29: {  	s4 =	sld [smem:$0x3FB2]  }
0x2a: {  	p0 =	seq.s32 s5, $0x0;
	s5 =	sld [smem:$0x3FB3]  }
0x2b: {  	s6 =	sld [smem:$0x3FB4]  }
0x2c: {  	s7 =	sld [smem:$0x3FB5]  }
0x2d: {  	s3 =	simm.s32 $0x108;
	s8 =	sld [smem:$0x3FB6]  }
0x2e: {  	s3 =	simm.s32 @!p0 $0x1082;
	s9 =	sld [smem:$0x3FB7]  }
0x2f: {  	lr =	sadd.s32 s0, s3;
	s0 =	sld [smem:$0x3FAE]  }
0x30: {  	s3 =	sld [smem:$0x3FB1]  }
0x31: {  	[smem:$0x3FBA] =	sst s10  }
0x32: {  	s10 =	sld [smem:$0x3FB8];
	_ =	sdelay $0x3  }
0x33: {  	p0 =	seq.s32 s10, $0x1;
	s10 =	sld [smem:$0x3FBA];
	_ =	sdelay $0x3  }
0x34: {  	[smem:$0x3FBA] =	sst s10  }
0x35: {  	s10 =	sld [smem:$0x3FB9];
	_ =	sdelay $0x3  }
0x36: {  	p1 =	seq.s32 s10, $0x1;
	s10 =	sld [smem:$0x3FBA];
	_ =	sdelay $0x3  }
0x37: {  	[smem:$0x3FBA] =	sst s10  }
0x38: {  	s10 =	sld [smem:$0x3FBB]  }
0x39: {  	_ = 	snop;
	(pc) =	sbr.ind lr, $3  }
0x3a: {  	_ = 	snop  }
0x3b: {  	_ = 	snop  }
0x3c: {  	p2 =	seq.s32 s10, $0x1;
	s10 =	sld [smem:$0x3FBA]  }
0x3d: {  	_ =	shalt  }
0x3e: {  	_ =	shalt  }
0x3f: {  	_ =	shalt  }
0x40: {  	_ =	shalt  }
0x41: {  	_ =	shalt  }
0x42: {  	_ =	shalt  }
0x43: {  	_ =	shalt  }
0x44: {  	_ =	shalt  }
0x45: {  	_ =	shalt  }
0x46: {  	_ =	shalt  }
0x47: {  	_ =	shalt  }
0x48: {  	_ =	shalt  }
0x49: {  	_ =	shalt  }
0x4a: {  	_ =	shalt  }
0x4b: {  	_ =	shalt  }
0x4c: {  	_ =	shalt  }
0x4d: {  	_ =	shalt  }
0x4e: {  	_ =	shalt  }
0x4f: {  	_ =	shalt  }
0x50: {  	_ =	shalt  }
0x51: {  	_ =	shalt  }
0x52: {  	_ =	shalt  }
0x53: {  	_ =	shalt  }
0x54: {  	_ =	shalt  }
0x55: {  	_ =	shalt  }
0x56: {  	_ =	shalt  }
0x57: {  	_ =	shalt  }
0x58: {  	_ =	shalt  }
0x59: {  	_ =	shalt  }
0x5a: {  	_ =	shalt  }
0x5b: {  	_ =	shalt  }
0x5c: {  	_ =	shalt  }
0x5d: {  	_ =	shalt  }
0x5e: {  	_ =	shalt  }
0x5f: {  	_ =	shalt  }
0x60: {  	_ =	shalt  }
0x61: {  	_ =	shalt  }
0x62: {  	_ =	shalt  }
0x63: {  	_ =	shalt  }
0x64: {  	_ =	shalt  }
0x65: {  	_ =	shalt  }
0x66: {  	_ =	shalt  }
0x67: {  	_ =	shalt  }
0x68: {  	_ =	shalt  }
0x69: {  	_ =	shalt  }
0x6a: {  	_ =	shalt  }
0x6b: {  	_ =	shalt  }
0x6c: {  	_ =	shalt  }
0x6d: {  	_ =	shalt  }
0x6e: {  	_ =	shalt  }
0x6f: {  	_ =	shalt  }
0x70: {  	_ =	shalt  }
0x71: {  	_ =	shalt  }
0x72: {  	_ =	shalt  }
0x73: {  	_ =	shalt  }
0x74: {  	_ =	shalt  }
0x75: {  	_ =	shalt  }
0x76: {  	_ =	shalt  }
0x77: {  	_ =	shalt  }
0x78: {  	_ =	shalt  }
0x79: {  	_ =	shalt  }
0x7a: {  	_ =	shalt  }
0x7b: {  	_ =	shalt  }
0x7c: {  	_ =	shalt  }
0x7d: {  	_ =	shalt  }
0x7e: {  	_ =	shalt  }
0x7f: {  	_ =	shalt  }
0x80: {  	_ =	shalt  }
0x81: {  	_ =	shalt  }
0x82: {  	_ =	shalt  }
0x83: {  	_ =	shalt  }
0x84: {  	_ =	shalt  }
0x85: {  	_ =	shalt  }
0x86: {  	_ =	shalt  }
0x87: {  	_ =	shalt  }
.Lfunc_end0:
.L_simem_size_0:
called_computation_lowered:
.L_overlay_start_0:
0x88: {  	s2 =	sld [smem:$0x3FD9]  }
0x89: {  	s3 =	sld [smem:$0x3FFE];
	_ =	sdelay $0x1  }
0x8a: {  	s1 =	srdreg.scid  }
0x8b: {  	s0 =	sand.u32 $0x1, s1  }
0x8c: {  	s18 =	sshll.u32 s0, $0xA;
	s2 =	sadd.s32 s3, s2  }
0x8d: {  	s2 =	sadd.s32 s2, s18  }
0x8e: {  	[smem:$0x3FC6] =	sst s2  }
0x8f: {  	_ = 	snop  }
0x90: {  	s2 =	sld [smem:$0x3FC9]  }
0x91: {  	s19 =	sld [smem:$0x3FC8]  }
0x92: {  	s4 =	sld [smem:$0x3FD0];
	(tm) =	ssettm $0x1  }
0x93: {  	s5 =	sld [smem:$0x3FFB];
	_ =	sdelay $0x3  }
0x94: {  	_ =	strace s5  }
0x95: {  	s5 =	sld [smem:$0x3FFC];
	_ =	sdelay $0x3  }
0x96: {  	_ =	strace s5  }
0x97: {  	s5 =	sld [smem:$0x3FFD];
	_ =	sdelay $0x3  }
0x98: {  	_ =	strace s5  }
0x99: {  	_ =	strace $0x8FFFFFFF  }
0x9a: {  	s20 =	sld [smem:$0x3FDB];
	_ =	sdelay $0x1  }
0x9b: {  	s6 =	simm.s32 $_scs_section_size  }
0x9c: {  	s7 =	simm.s32 $_size__tile_overlayer_lowered;
	s8 =	simm.s32 $_tile_overlayer_lowered  }
0x9d: {  	s23 =	simm.s32 $0x1BFF;
	s22 =	sshll.u32 s8, $0x1;
	s5 =	sadd.s32 s6, s20  }
0x9e: {  	s9 =	simm.s32 $0x0;
	s21 =	sshll.u32 s7, $0x1;
	s7 =	sadd.s32 s22, s5  }
0x9f: {  	[timem:s9], [sflag:s23] =	dma.local [hbm:s7], s21  }
0xa0: {  	_ =	swait.ge [sflag:s23], s21  }
0xa1: {  	s6 =	ssub.s32 $0x0, s21;
	[sflag:s23] =	ssyncset.done $0x0  }
0xa2: {  	[sflag:s23] =	ssyncadd.s32 s6;
	_ =	sdelay $0x1  }
0xa3: {  	s24 =	simm.s32 $0x1B8B  }
0xa4: {  	_ =	swait.ge [sflag:s24], $0x1  }
0xa5: {  	[sflag:s24] =	ssyncset.done $0x0  }
0xa6: {  	s25 =	simm.s32 $0x1B8E;
	[sflag:s24] =	ssyncadd.s32 $0xFFFFFFFF  }
0xa7: {  	s26 =	simm.s32 $execute0_lowered;
	[smem:$0x3FD2] =	sst s25  }
0xa8: {  	s6 =	sshll.u32 s26, $0x1;
	_ =	strace $0x80000046;
	[dreg:$0x1] =	wrdreg $0xFFFFFFFF  }
0xa9: {  	s28 =	simm.s32 $_size_execute0_lowered;
	s5 =	sadd.s32 s5, s6;
	[dreg:$0x0] =	wrdreg $0x0  }
0xaa: {  	s6 =	sshll.u32 s28, $0x1;
	[dreg:$0x2] =	wrdreg s5  }
0xab: {  	[dreg:$0x3] =	wrdreg s6  }
0xac: {  	[dreg:$0x4] =	wrdreg $0xC0  }
0xad: {  	_ =	task [dreg:s9], $0x5FFFF  }
0xae: {  	[dreg:$0x1] =	wrdreg $0xFFFFFFFF  }
0xaf: {  	[dreg:$0x0] =	wrdreg $0x60  }
0xb0: {  	[dreg:$0x2] =	wrdreg s2  }
0xb1: {  	[dreg:$0x3] =	wrdreg s19  }
0xb2: {  	[dreg:$0x4] =	wrdreg s4  }
0xb3: {  	[dreg:$0x5] =	wrdreg $0x9  }
0xb4: {  	_ =	task.clear_ibuf [dreg:s9], $0x6FFFF;
	_ =	strace $0x90000046  }
0xb5: {  	s29 =	simm.s32 $0x9;
	_ =	strace $0x80000048  }
0xb6: {  	_ =	swait.ge [sflag:s29], $0x1  }
0xb7: {  	[sflag:s29] =	ssyncadd.s32 $0xFFFFFFFF  }
0xb8: {  	_ =	strace $0x90000048  }
0xb9: {  	_ =	sfence  }
0xba: {  	s30 =	sld [smem:$0x0];
	_ =	sdelay $0x2  }
0xbb: {  	s31 =	sshll.u32 s1, $0xD;
	s1 =	sshrl.u32 s1, $0x2  }
0xbc: {  	s3 =	sand.u32 $0x4000, s31;
	s1 =	sadd.s32 s1, s30  }
0xbd: {  	s0 =	sor.u32 s3, s0;
	s1 =	sshll.u32 s1, $0x11  }
0xbe: {  	s0 =	sor.u32 s1, s0  }
0xbf: {  	s0 =	sadd.s32 $0x8F2B, s0  }
0xc0: {  	[sflag:s0] =	ssyncadd.remote.s32 $0x1  }
0xc1: {  	_ =	sfence.sel $0xFFFF  }
0xc2: {  	[dreg:$0x0] =	wrdreg $0xFFFFFFFF;
	(pc) =	sbr.abs _section_cstart, $3  }
0xc3: {  	[dreg:$0x1] =	wrdreg $0xFFFFFFFF  }
0xc4: {  	_ =	task.clear_ibuf [dreg:s9], $0x2FFFF;
	_ =	strace $0x9FFFFFFF  }
0xc5: {  	(tm) =	ssettm $0x7FFFFFFF  }
tec
execute0_lowered:
.L_overlay_start_1:
0x0: {  	(tag) =	ssettag $0x1  }
0x1: {  	s0 =	rddreg [dreg:$0x0]  }
0x2: {  	s2 =	rddreg [dreg:$0x1]  }
0x3: {  	s1 =	rddreg [dreg:$0x2];
	s3 =	srdreg.scid  }
0x4: {  	s9 =	stileid.u32;
	s23 =	simm.s32 $0x6400;
	s28 =	simm.s32 $0x1  }
0x5: {  	s29 =	simm.s32 $0x8400;
	s12 =	simm.s32 $0xA400;
	s17 =	simm.s32 $0x3  }
0x6: {  	s18 =	simm.s32 $0xC400;
	s10 =	simm.s32 $0xEC00;
	s11 =	simm.s32 $0xF400  }
0x7: {  	s15 =	simm.s32 $0x5;
	s19 =	simm.s32 $0xA;
	s30 =	simm.s32 $0x7  }
0x8: {  	s31 =	simm.s32 $0xB;
	s13 =	simm.s32 $0xC;
	s20 =	simm.s32 $0x0  }
0x9: {  	s4 =	sand.u32 $0x1, s3;
	s3 =	simm.s32 $0x0;
	s5 =	sshll.u32 s9, $0xB  }
0xa: {  	s25 =	sshll.u32 s9, $0x12;
	s6 =	sshll.u32 s4, $0xA;
	[smem:$0x7FF] =	sst s3  }
0xb: {  	s7 =	ssub.s32 $0x2, s4;
	s26 =	sshll.u32 s4, $0x11;
	s4 =	simm.s32 $0x4  }
0xc: {  	s5 =	sor.u32 s6, s5;
	_ =	strace $0x80000047;
	s24 =	sshrl.u32 s7, $0x1  }
0xd: {  	s6 =	sadd.s32 $0x200, s2;
	s5 =	sshrl.u32 s5, $0x3;
	s8 =	ssub.s32 s7, s24  }
.Ltmp0:
0xe: {  	s7 =	sadd.s32 $0x300, s2;
	s0 =	sadd.s32 s0, s5;
	(pc) =	sbr.rel .LBB2_1-.Ltmp0, $4  }
0xf: {  	s24 =	simm.s32 $0xFC00;
	s8 =	smax.u32 s8, $0x1;
	[dreg:$0x4] =	wrdreg s0  }
0x10: {  	v0 =	vlaneseq.u32;
	s5 =	sadd.s32 $0x100, s2;
	[dreg:$0x5] =	wrdreg s8;
	s0 =	sadd.s32 s25, s1  }
0x11: {  	v1 =	vshrl.u32 v0, $0x3;
	s1 =	simm.s32 $0x2;
	s8 =	simm.s32 $0xE400;
	s25 =	simm.s32 $0x9  }
0x12: {  	vm0 =	vmmov $0xffff;
	v0 =	vand.u32 $0x7, v0;
	v1 =	vmul.u32 $0x8, v1;
	s9 =	sadd.s32 s26, s0;
	s26 =	simm.s32 $0x6;
	s0 =	simm.s32 $0x8  }
.LBB2_4:
0x13: {  	s14 =	simm.s32 $0xD  }
0x14: {  	_ =	swait.ge [sflag:s14], $0x2000  }
0x15: {  	[sflag:s14] =	ssyncset.done $0x0  }
0x16: {  	s20 =	simm.s32 $0xE;
	[sflag:s14] =	ssyncadd.s32 $0xFFFFE000  }
0x17: {  	_ =	swait.ge [sflag:s20], $0x2000  }
0x18: {  	[sflag:s20] =	ssyncset.done $0x0  }
0x19: {  	s21 =	simm.s32 $0xF;
	[sflag:s20] =	ssyncadd.s32 $0xFFFFE000  }
0x1a: {  	_ =	swait.ge [sflag:s21], $0x2000  }
0x1b: {  	[sflag:s21] =	ssyncset.done $0x0  }
0x1c: {  	s16 =	simm.s32 $0x10;
	[sflag:s21] =	ssyncadd.s32 $0xFFFFE000  }
0x1d: {  	_ =	swait.ge [sflag:s16], $0x2000  }
0x1e: {  	s20 =	rddreg [dreg:$0x6]  }
0x1f: {  	s22 =	rddreg [dreg:$0x5];
	s20 =	sadd.s32 $0x1, s20  }
0x20: {  	p0 =	sne.s32 s20, s22  }
.Ltmp1:
0x21: {  	_ = 	snop;
	(pc) =	sbr.rel @!p0 .LBB2_5-.Ltmp1, $3  }
0x22: {  	_ =	sdelay $0x1  }
0x23: {  	[sflag:s16] =	ssyncset.done $0x0  }
0x24: {  	[sflag:s16] =	ssyncadd.s32 $0xFFFFE000  }
.LBB2_1:
0x25: {  	[dreg:$0x6] =	wrdreg s20  }
0x26: {  	s14 =	rddreg [dreg:$0x4];
	s16 =	simm.s32 $0x11  }
0x27: {  	[tilespmem:s3], [sflag:$0x11] =	stream.linear.gather [hbm4b:s14+s3], $0x400, $0x38;
	[tilespmem:$0x10400] =	vst v63  }
0x28: {  	_ =	swait.ge [sflag:s16], $0x400  }
0x29: {  	[sflag:s16] =	ssyncset.done $0x0  }
0x2a: {  	[sflag:s16] =	ssyncadd.s32 $0xFFFFFC00  }
0x2b: {  	v2 =	vld.msk [tilespmem:$0x0], $0xff;
	_ =	sdelay $0x4  }
0x2c: {  	v3 =	vshll.u32 v2, $0x3  }
0x2d: {  	v2 =	vand.u32 $0x7, v2;
	v3 =	vand.u32 $0xFFFFFFC0, v3  }
0x2e: {  	v2 =	vor.u32 v2, v3  }
0x2f: {  	v2 =	vperm.xlane v2, v0;
	_ =	sdelay $0x1  }
0x30: {  	v2 =	vadd.s32 v1, v2;
	_ =	sdelay $0x3  }
0x31: {  	s20 =	simm.s32 $0x400  }
0x32: {  	[tilespmem:s20], [sflag:$0x1] =	stream.indirect_vreg.gather [hbm4b:s2+s3], $0x80, v2, vm0, $0xb8;
	[tilespmem:$0x10400] =	vst v63  }
0x33: {  	s21 =	simm.s32 $0xC00  }
0x34: {  	[tilespmem:s21], [sflag:$0x1] =	stream.indirect_vreg.gather [hbm4b:s5+s3], $0x80, v2, vm0, $0xb8;
	[tilespmem:$0x10400] =	vst v63  }
0x35: {  	s22 =	simm.s32 $0x1400  }
0x36: {  	[tilespmem:s22], [sflag:$0x1] =	stream.indirect_vreg.gather [hbm4b:s6+s3], $0x80, v2, vm0, $0xb8;
	[tilespmem:$0x10400] =	vst v63  }
0x37: {  	s16 =	simm.s32 $0x1C00  }
0x38: {  	[tilespmem:s16], [sflag:$0x1] =	stream.indirect_vreg.gather [hbm4b:s7+s3], $0x80, v2, vm0, $0xb8;
	[tilespmem:$0x10400] =	vst v63  }
0x39: {  	v2 =	vld.msk [tilespmem:$0x8], $0xff;
	_ =	sdelay $0x4  }
0x3a: {  	v3 =	vshll.u32 v2, $0x3  }
0x3b: {  	v2 =	vand.u32 $0x7, v2;
	v3 =	vand.u32 $0xFFFFFFC0, v3  }
0x3c: {  	v2 =	vor.u32 v2, v3  }
0x3d: {  	v2 =	vperm.xlane v2, v0;
	_ =	sdelay $0x1  }
0x3e: {  	v2 =	vadd.s32 v1, v2;
	_ =	sdelay $0x3  }
0x3f: {  	s20 =	simm.s32 $0x2400  }
0x40: {  	[tilespmem:s20], [sflag:$0x2] =	stream.indirect_vreg.gather [hbm4b:s2+s3], $0x80, v2, vm0, $0xb8;
	[tilespmem:$0x10400] =	vst v63  }
0x41: {  	s21 =	simm.s32 $0x2C00  }
0x42: {  	[tilespmem:s21], [sflag:$0x2] =	stream.indirect_vreg.gather [hbm4b:s5+s3], $0x80, v2, vm0, $0xb8;
	[tilespmem:$0x10400] =	vst v63  }
0x43: {  	s22 =	simm.s32 $0x3400  }
0x44: {  	[tilespmem:s22], [sflag:$0x2] =	stream.indirect_vreg.gather [hbm4b:s6+s3], $0x80, v2, vm0, $0xb8;
	[tilespmem:$0x10400] =	vst v63  }
0x45: {  	s16 =	simm.s32 $0x3C00  }
0x46: {  	[tilespmem:s16], [sflag:$0x2] =	stream.indirect_vreg.gather [hbm4b:s7+s3], $0x80, v2, vm0, $0xb8;
	[tilespmem:$0x10400] =	vst v63  }
0x47: {  	v2 =	vld.msk [tilespmem:$0x10], $0xff;
	_ =	sdelay $0x4  }
0x48: {  	v3 =	vshll.u32 v2, $0x3  }
0x49: {  	v2 =	vand.u32 $0x7, v2;
	v3 =	vand.u32 $0xFFFFFFC0, v3  }
0x4a: {  	v2 =	vor.u32 v2, v3  }
0x4b: {  	v2 =	vperm.xlane v2, v0;
	_ =	sdelay $0x1  }
0x4c: {  	v2 =	vadd.s32 v1, v2;
	_ =	sdelay $0x3  }
0x4d: {  	s20 =	simm.s32 $0x4400  }
0x4e: {  	[tilespmem:s20], [sflag:$0x3] =	stream.indirect_vreg.gather [hbm4b:s2+s3], $0x80, v2, vm0, $0xb8;
	[tilespmem:$0x10400] =	vst v63  }
0x4f: {  	s21 =	simm.s32 $0x4C00  }
0x50: {  	[tilespmem:s21], [sflag:$0x3] =	stream.indirect_vreg.gather [hbm4b:s5+s3], $0x80, v2, vm0, $0xb8;
	[tilespmem:$0x10400] =	vst v63  }
0x51: {  	s22 =	simm.s32 $0x5400  }
0x52: {  	[tilespmem:s22], [sflag:$0x3] =	stream.indirect_vreg.gather [hbm4b:s6+s3], $0x80, v2, vm0, $0xb8;
	[tilespmem:$0x10400] =	vst v63  }
0x53: {  	s16 =	simm.s32 $0x5C00  }
0x54: {  	[tilespmem:s16], [sflag:$0x3] =	stream.indirect_vreg.gather [hbm4b:s7+s3], $0x80, v2, vm0, $0xb8;
	[tilespmem:$0x10400] =	vst v63  }
0x55: {  	v2 =	vld.msk [tilespmem:$0x18], $0xff;
	_ =	sdelay $0x4  }
0x56: {  	v3 =	vshll.u32 v2, $0x3  }
0x57: {  	v2 =	vand.u32 $0x7, v2;
	v3 =	vand.u32 $0xFFFFFFC0, v3  }
0x58: {  	v2 =	vor.u32 v2, v3  }
0x59: {  	v2 =	vperm.xlane v2, v0;
	_ =	sdelay $0x1  }
0x5a: {  	v2 =	vadd.s32 v1, v2;
	_ =	sdelay $0x4  }
0x5b: {  	[tilespmem:s23], [sflag:$0x4] =	stream.indirect_vreg.gather [hbm4b:s2+s3], $0x80, v2, vm0, $0xb8;
	[tilespmem:$0x10400] =	vst v63  }
0x5c: {  	s20 =	simm.s32 $0x6C00  }
0x5d: {  	[tilespmem:s20], [sflag:$0x4] =	stream.indirect_vreg.gather [hbm4b:s5+s3], $0x80, v2, vm0, $0xb8;
	[tilespmem:$0x10400] =	vst v63  }
0x5e: {  	s21 =	simm.s32 $0x7400  }
0x5f: {  	[tilespmem:s21], [sflag:$0x4] =	stream.indirect_vreg.gather [hbm4b:s6+s3], $0x80, v2, vm0, $0xb8;
	[tilespmem:$0x10400] =	vst v63  }
0x60: {  	s14 =	simm.s32 $0x30;
	s22 =	simm.s32 $0x7C00;
	s16 =	simm.s32 $0x0  }
0x61: {  	[tilespmem:s22], [sflag:$0x4] =	stream.indirect_vreg.gather [hbm4b:s7+s3], $0x80, v2, vm0, $0xb8;
	[tilespmem:$0x10400] =	vst v63  }
.LBB2_2:
0x62: {  	_ =	swait.ge [sflag:s28], $0x2000  }
0x63: {  	s20 =	sadd.s32 s16, s9;
	[sflag:s28] =	ssyncset.done $0x0  }
0x64: {  	s21 =	simm.s32 $0x400;
	p0 =	seq.s32 s16, $0x0;
	[sflag:s28] =	ssyncadd.s32 $0xFFFFE000  }
0x65: {  	[hbm4b:s20+s3] =	stream.linear.scatter [tilespmem:s21], [sflag:$0x9], $0x2000, $0x38;
	[tilespmem:$0x10400] =	vst v63  }
0x66: {  	s21 =	simm.s32 @!p0 $0xD  }
0x67: {  	_ =	swait.ge @!p0 [sflag:s21], $0x2000  }
0x68: {  	[sflag:s21] =	ssyncset.done @!p0 $0x0  }
0x69: {  	[sflag:s21] =	ssyncadd.s32 @!p0 $0xFFFFE000  }
0x6a: {  	v2 =	vld.msk [tilespmem:s14+$0xFFFFFFF0], $0xff;
	_ =	sdelay $0x4  }
0x6b: {  	v3 =	vshll.u32 v2, $0x3  }
0x6c: {  	v2 =	vand.u32 $0x7, v2;
	v3 =	vand.u32 $0xFFFFFFC0, v3  }
0x6d: {  	v2 =	vor.u32 v2, v3  }
0x6e: {  	v2 =	vperm.xlane v2, v0;
	_ =	sdelay $0x1  }
0x6f: {  	v2 =	vadd.s32 v1, v2;
	_ =	sdelay $0x4  }
0x70: {  	[tilespmem:s29], [sflag:$0x5] =	stream.indirect_vreg.gather [hbm4b:s2+s3], $0x80, v2, vm0, $0xb8;
	[tilespmem:$0x10400] =	vst v63  }
0x71: {  	s22 =	simm.s32 $0x8C00  }
0x72: {  	[tilespmem:s22], [sflag:$0x5] =	stream.indirect_vreg.gather [hbm4b:s5+s3], $0x80, v2, vm0, $0xb8;
	[tilespmem:$0x10400] =	vst v63  }
0x73: {  	s22 =	simm.s32 $0x9400  }
0x74: {  	[tilespmem:s22], [sflag:$0x5] =	stream.indirect_vreg.gather [hbm4b:s6+s3], $0x80, v2, vm0, $0xb8;
	[tilespmem:$0x10400] =	vst v63  }
0x75: {  	s22 =	simm.s32 $0x9C00  }
0x76: {  	[tilespmem:s22], [sflag:$0x5] =	stream.indirect_vreg.gather [hbm4b:s7+s3], $0x80, v2, vm0, $0xb8;
	[tilespmem:$0x10400] =	vst v63  }
0x77: {  	_ =	swait.ge [sflag:s1], $0x2000  }
0x78: {  	[sflag:s1] =	ssyncset.done $0x0  }
0x79: {  	s21 =	sadd.s32 $0x400, s20;
	s22 =	simm.s32 $0x2400;
	[sflag:s1] =	ssyncadd.s32 $0xFFFFE000  }
0x7a: {  	[hbm4b:s21+s3] =	stream.linear.scatter [tilespmem:s22], [sflag:$0xA], $0x2000, $0x38;
	[tilespmem:$0x10400] =	vst v63  }
0x7b: {  	s21 =	simm.s32 @!p0 $0xE  }
0x7c: {  	_ =	swait.ge @!p0 [sflag:s21], $0x2000  }
0x7d: {  	[sflag:s21] =	ssyncset.done @!p0 $0x0  }
0x7e: {  	[sflag:s21] =	ssyncadd.s32 @!p0 $0xFFFFE000  }
0x7f: {  	v2 =	vld.msk [tilespmem:s14+$0xFFFFFFF8], $0xff;
	_ =	sdelay $0x4  }
0x80: {  	v3 =	vshll.u32 v2, $0x3  }
0x81: {  	v2 =	vand.u32 $0x7, v2;
	v3 =	vand.u32 $0xFFFFFFC0, v3  }
0x82: {  	v2 =	vor.u32 v2, v3  }
0x83: {  	v2 =	vperm.xlane v2, v0;
	_ =	sdelay $0x1  }
0x84: {  	v2 =	vadd.s32 v1, v2;
	_ =	sdelay $0x4  }
0x85: {  	[tilespmem:s12], [sflag:$0x6] =	stream.indirect_vreg.gather [hbm4b:s2+s3], $0x80, v2, vm0, $0xb8;
	[tilespmem:$0x10400] =	vst v63  }
0x86: {  	s22 =	simm.s32 $0xAC00  }
0x87: {  	[tilespmem:s22], [sflag:$0x6] =	stream.indirect_vreg.gather [hbm4b:s5+s3], $0x80, v2, vm0, $0xb8;
	[tilespmem:$0x10400] =	vst v63  }
0x88: {  	s22 =	simm.s32 $0xB400  }
0x89: {  	[tilespmem:s22], [sflag:$0x6] =	stream.indirect_vreg.gather [hbm4b:s6+s3], $0x80, v2, vm0, $0xb8;
	[tilespmem:$0x10400] =	vst v63  }
0x8a: {  	s22 =	simm.s32 $0xBC00  }
0x8b: {  	[tilespmem:s22], [sflag:$0x6] =	stream.indirect_vreg.gather [hbm4b:s7+s3], $0x80, v2, vm0, $0xb8;
	[tilespmem:$0x10400] =	vst v63  }
0x8c: {  	_ =	swait.ge [sflag:s17], $0x2000  }
0x8d: {  	[sflag:s17] =	ssyncset.done $0x0  }
0x8e: {  	s21 =	sadd.s32 $0x800, s20;
	s22 =	simm.s32 $0x4400;
	[sflag:s17] =	ssyncadd.s32 $0xFFFFE000  }
0x8f: {  	[hbm4b:s21+s3] =	stream.linear.scatter [tilespmem:s22], [sflag:$0xB], $0x2000, $0x38;
	[tilespmem:$0x10400] =	vst v63  }
0x90: {  	s21 =	simm.s32 @!p0 $0xF  }
0x91: {  	_ =	swait.ge @!p0 [sflag:s21], $0x2000  }
0x92: {  	[sflag:s21] =	ssyncset.done @!p0 $0x0  }
0x93: {  	[sflag:s21] =	ssyncadd.s32 @!p0 $0xFFFFE000  }
0x94: {  	v2 =	vld.msk [tilespmem:s14+$0x0], $0xff;
	_ =	sdelay $0x4  }
0x95: {  	v3 =	vshll.u32 v2, $0x3  }
0x96: {  	v2 =	vand.u32 $0x7, v2;
	v3 =	vand.u32 $0xFFFFFFC0, v3  }
0x97: {  	v2 =	vor.u32 v2, v3  }
0x98: {  	v2 =	vperm.xlane v2, v0;
	_ =	sdelay $0x1  }
0x99: {  	v2 =	vadd.s32 v1, v2;
	_ =	sdelay $0x4  }
0x9a: {  	[tilespmem:s18], [sflag:$0x7] =	stream.indirect_vreg.gather [hbm4b:s2+s3], $0x80, v2, vm0, $0xb8;
	[tilespmem:$0x10400] =	vst v63  }
0x9b: {  	s22 =	simm.s32 $0xCC00  }
0x9c: {  	[tilespmem:s22], [sflag:$0x7] =	stream.indirect_vreg.gather [hbm4b:s5+s3], $0x80, v2, vm0, $0xb8;
	[tilespmem:$0x10400] =	vst v63  }
0x9d: {  	s22 =	simm.s32 $0xD400  }
0x9e: {  	[tilespmem:s22], [sflag:$0x7] =	stream.indirect_vreg.gather [hbm4b:s6+s3], $0x80, v2, vm0, $0xb8;
	[tilespmem:$0x10400] =	vst v63  }
0x9f: {  	s22 =	simm.s32 $0xDC00  }
0xa0: {  	[tilespmem:s22], [sflag:$0x7] =	stream.indirect_vreg.gather [hbm4b:s7+s3], $0x80, v2, vm0, $0xb8;
	[tilespmem:$0x10400] =	vst v63  }
0xa1: {  	_ =	swait.ge [sflag:s4], $0x2000  }
0xa2: {  	[sflag:s4] =	ssyncset.done $0x0  }
0xa3: {  	s21 =	simm.s32 @!p0 $0x10;
	s22 =	sadd.s32 $0xC00, s20;
	[sflag:s4] =	ssyncadd.s32 $0xFFFFE000  }
0xa4: {  	[hbm4b:s22+s3] =	stream.linear.scatter [tilespmem:s23], [sflag:$0xC], $0x2000, $0x38;
	[tilespmem:$0x10400] =	vst v63  }
0xa5: {  	_ =	swait.ge @!p0 [sflag:s21], $0x2000  }
0xa6: {  	[sflag:s21] =	ssyncset.done @!p0 $0x0  }
0xa7: {  	[sflag:s21] =	ssyncadd.s32 @!p0 $0xFFFFE000  }
0xa8: {  	v2 =	vld.msk [tilespmem:s14+$0x8], $0xff;
	_ =	sdelay $0x4  }
0xa9: {  	v3 =	vshll.u32 v2, $0x3  }
0xaa: {  	v2 =	vand.u32 $0x7, v2;
	v3 =	vand.u32 $0xFFFFFFC0, v3  }
0xab: {  	v2 =	vor.u32 v2, v3  }
0xac: {  	v2 =	vperm.xlane v2, v0;
	_ =	sdelay $0x1  }
0xad: {  	v2 =	vadd.s32 v1, v2;
	_ =	sdelay $0x4  }
0xae: {  	[tilespmem:s8], [sflag:$0x8] =	stream.indirect_vreg.gather [hbm4b:s2+s3], $0x80, v2, vm0, $0xb8;
	[tilespmem:$0x10400] =	vst v63  }
0xaf: {  	_ = 	snop  }
0xb0: {  	[tilespmem:s10], [sflag:$0x8] =	stream.indirect_vreg.gather [hbm4b:s5+s3], $0x80, v2, vm0, $0xb8;
	[tilespmem:$0x10400] =	vst v63  }
0xb1: {  	_ = 	snop  }
0xb2: {  	[tilespmem:s11], [sflag:$0x8] =	stream.indirect_vreg.gather [hbm4b:s6+s3], $0x80, v2, vm0, $0xb8;
	[tilespmem:$0x10400] =	vst v63  }
0xb3: {  	_ = 	snop  }
0xb4: {  	[tilespmem:s24], [sflag:$0x8] =	stream.indirect_vreg.gather [hbm4b:s7+s3], $0x80, v2, vm0, $0xb8;
	[tilespmem:$0x10400] =	vst v63  }
0xb5: {  	_ =	swait.ge [sflag:s15], $0x2000  }
0xb6: {  	[sflag:s15] =	ssyncset.done $0x0  }
0xb7: {  	s22 =	sadd.s32 $0x1000, s20;
	[sflag:s15] =	ssyncadd.s32 $0xFFFFE000  }
0xb8: {  	[hbm4b:s22+s3] =	stream.linear.scatter [tilespmem:s29], [sflag:$0xD], $0x2000, $0x38;
	[tilespmem:$0x10400] =	vst v63  }
0xb9: {  	_ =	swait.ge [sflag:s25], $0x2000  }
0xba: {  	[sflag:s25] =	ssyncset.done $0x0  }
0xbb: {  	p0 =	seq.s32 s16, $0x1E000;
	[sflag:s25] =	ssyncadd.s32 $0xFFFFE000  }
0xbc: {  	v2 =	vld.msk @!p0 [tilespmem:s14+$0x10], $0xff;
	_ =	sdelay $0x4  }
0xbd: {  	v3 =	vshll.u32 @!p0 v2, $0x3  }
0xbe: {  	v4 =	vlaneseq.u32 @!p0;
	v2 =	vand.u32 @!p0 $0x7, v2;
	v3 =	vand.u32 @!p0 $0xFFFFFFC0, v3  }
0xbf: {  	v2 =	vor.u32 @!p0 v2, v3;
	v3 =	vand.u32 @!p0 $0x7, v4;
	v4 =	vshrl.u32 @!p0 v4, $0x3  }
0xc0: {  	v2 =	vperm.xlane @!p0 v2, v3;
	v4 =	vmul.u32 @!p0 $0x8, v4;
	_ =	sdelay $0x1  }
0xc1: {  	v2 =	vadd.s32 @!p0 v4, v2;
	_ =	sdelay $0x3  }
0xc2: {  	vm1 =	vmmov @!p0 $0xffff;
	s21 =	simm.s32 @!p0 $0x0;
	s22 =	simm.s32 @!p0 $0x400  }
0xc3: {  	[tilespmem:s22], [sflag:$0x1] =	stream.indirect_vreg.gather @!p0 [hbm4b:s2+s21], $0x80, v2, vm1, $0xb8;
	[tilespmem:$0x10400] =	vst v63  }
0xc4: {  	s22 =	simm.s32 @!p0 $0xC00  }
0xc5: {  	[tilespmem:s22], [sflag:$0x1] =	stream.indirect_vreg.gather @!p0 [hbm4b:s5+s21], $0x80, v2, vm1, $0xb8;
	[tilespmem:$0x10400] =	vst v63  }
0xc6: {  	s22 =	simm.s32 @!p0 $0x1400  }
0xc7: {  	[tilespmem:s22], [sflag:$0x1] =	stream.indirect_vreg.gather @!p0 [hbm4b:s6+s21], $0x80, v2, vm1, $0xb8;
	[tilespmem:$0x10400] =	vst v63  }
0xc8: {  	s22 =	simm.s32 @!p0 $0x1C00  }
0xc9: {  	[tilespmem:s22], [sflag:$0x1] =	stream.indirect_vreg.gather @!p0 [hbm4b:s7+s21], $0x80, v2, vm1, $0xb8;
	[tilespmem:$0x10400] =	vst v63  }
0xca: {  	_ =	swait.ge [sflag:s26], $0x2000  }
0xcb: {  	[sflag:s26] =	ssyncset.done $0x0  }
0xcc: {  	s22 =	sadd.s32 $0x1400, s20;
	[sflag:s26] =	ssyncadd.s32 $0xFFFFE000  }
0xcd: {  	[hbm4b:s22+s3] =	stream.linear.scatter [tilespmem:s12], [sflag:$0xE], $0x2000, $0x38;
	[tilespmem:$0x10400] =	vst v63  }
0xce: {  	_ =	swait.ge [sflag:s19], $0x2000  }
0xcf: {  	[sflag:s19] =	ssyncset.done $0x0  }
0xd0: {  	[sflag:s19] =	ssyncadd.s32 $0xFFFFE000  }
0xd1: {  	v2 =	vld.msk @!p0 [tilespmem:s14+$0x18], $0xff;
	_ =	sdelay $0x4  }
0xd2: {  	v5 =	vshll.u32 @!p0 v2, $0x3  }
0xd3: {  	v2 =	vand.u32 @!p0 $0x7, v2;
	v5 =	vand.u32 @!p0 $0xFFFFFFC0, v5  }
0xd4: {  	v2 =	vor.u32 @!p0 v2, v5  }
0xd5: {  	v2 =	vperm.xlane @!p0 v2, v3;
	_ =	sdelay $0x1  }
0xd6: {  	v2 =	vadd.s32 @!p0 v4, v2;
	_ =	sdelay $0x3  }
0xd7: {  	s22 =	simm.s32 @!p0 $0x2400  }
0xd8: {  	[tilespmem:s22], [sflag:$0x2] =	stream.indirect_vreg.gather @!p0 [hbm4b:s2+s21], $0x80, v2, vm1, $0xb8;
	[tilespmem:$0x10400] =	vst v63  }
0xd9: {  	s22 =	simm.s32 @!p0 $0x2C00  }
0xda: {  	[tilespmem:s22], [sflag:$0x2] =	stream.indirect_vreg.gather @!p0 [hbm4b:s5+s21], $0x80, v2, vm1, $0xb8;
	[tilespmem:$0x10400] =	vst v63  }
0xdb: {  	s22 =	simm.s32 @!p0 $0x3400  }
0xdc: {  	[tilespmem:s22], [sflag:$0x2] =	stream.indirect_vreg.gather @!p0 [hbm4b:s6+s21], $0x80, v2, vm1, $0xb8;
	[tilespmem:$0x10400] =	vst v63  }
0xdd: {  	s22 =	simm.s32 @!p0 $0x3C00  }
0xde: {  	[tilespmem:s22], [sflag:$0x2] =	stream.indirect_vreg.gather @!p0 [hbm4b:s7+s21], $0x80, v2, vm1, $0xb8;
	[tilespmem:$0x10400] =	vst v63  }
0xdf: {  	_ =	swait.ge [sflag:s30], $0x2000  }
0xe0: {  	[sflag:s30] =	ssyncset.done $0x0  }
0xe1: {  	s22 =	sadd.s32 $0x1800, s20;
	[sflag:s30] =	ssyncadd.s32 $0xFFFFE000  }
0xe2: {  	[hbm4b:s22+s3] =	stream.linear.scatter [tilespmem:s18], [sflag:$0xF], $0x2000, $0x38;
	[tilespmem:$0x10400] =	vst v63  }
0xe3: {  	_ =	swait.ge [sflag:s31], $0x2000  }
0xe4: {  	[sflag:s31] =	ssyncset.done $0x0  }
0xe5: {  	[sflag:s31] =	ssyncadd.s32 $0xFFFFE000  }
0xe6: {  	v2 =	vld.msk @!p0 [tilespmem:s14+$0x20], $0xff;
	_ =	sdelay $0x4  }
0xe7: {  	v5 =	vshll.u32 @!p0 v2, $0x3  }
0xe8: {  	v2 =	vand.u32 @!p0 $0x7, v2;
	v5 =	vand.u32 @!p0 $0xFFFFFFC0, v5  }
0xe9: {  	v2 =	vor.u32 @!p0 v2, v5  }
0xea: {  	v2 =	vperm.xlane @!p0 v2, v3;
	_ =	sdelay $0x1  }
0xeb: {  	v2 =	vadd.s32 @!p0 v4, v2;
	_ =	sdelay $0x3  }
0xec: {  	s22 =	simm.s32 @!p0 $0x4400  }
0xed: {  	[tilespmem:s22], [sflag:$0x3] =	stream.indirect_vreg.gather @!p0 [hbm4b:s2+s21], $0x80, v2, vm1, $0xb8;
	[tilespmem:$0x10400] =	vst v63  }
0xee: {  	s22 =	simm.s32 @!p0 $0x4C00  }
0xef: {  	[tilespmem:s22], [sflag:$0x3] =	stream.indirect_vreg.gather @!p0 [hbm4b:s5+s21], $0x80, v2, vm1, $0xb8;
	[tilespmem:$0x10400] =	vst v63  }
0xf0: {  	s22 =	simm.s32 @!p0 $0x5400  }
0xf1: {  	[tilespmem:s22], [sflag:$0x3] =	stream.indirect_vreg.gather @!p0 [hbm4b:s6+s21], $0x80, v2, vm1, $0xb8;
	[tilespmem:$0x10400] =	vst v63  }
0xf2: {  	s22 =	simm.s32 @!p0 $0x5C00  }
0xf3: {  	[tilespmem:s22], [sflag:$0x3] =	stream.indirect_vreg.gather @!p0 [hbm4b:s7+s21], $0x80, v2, vm1, $0xb8;
	[tilespmem:$0x10400] =	vst v63  }
0xf4: {  	_ =	swait.ge [sflag:s0], $0x2000  }
0xf5: {  	[sflag:s0] =	ssyncset.done $0x0  }
.Ltmp2:
0xf6: {  	s20 =	sadd.s32 $0x1C00, s20;
	[sflag:s0] =	ssyncadd.s32 $0xFFFFE000;
	(pc) =	sbr.rel @p0 .LBB2_4-.Ltmp2, $4  }
0xf7: {  	[hbm4b:s20+s3] =	stream.linear.scatter [tilespmem:s8], [sflag:$0x10], $0x2000, $0x38;
	[tilespmem:$0x10400] =	vst v63  }
0xf8: {  	_ =	swait.ge [sflag:s13], $0x2000  }
0xf9: {  	[sflag:s13] =	ssyncset.done $0x0  }
0xfa: {  	[sflag:s13] =	ssyncadd.s32 $0xFFFFE000  }
0xfb: {  	v2 =	vld.msk [tilespmem:s14+$0x28], $0xff;
	_ =	sdelay $0x4  }
0xfc: {  	v3 =	vshll.u32 v2, $0x3  }
0xfd: {  	v2 =	vand.u32 $0x7, v2;
	v3 =	vand.u32 $0xFFFFFFC0, v3  }
0xfe: {  	v2 =	vor.u32 v2, v3  }
0xff: {  	v2 =	vperm.xlane v2, v0;
	_ =	sdelay $0x1  }
0x100: {  	v2 =	vadd.s32 v1, v2;
	_ =	sdelay $0x4  }
0x101: {  	[tilespmem:s23], [sflag:$0x4] =	stream.indirect_vreg.gather [hbm4b:s2+s3], $0x80, v2, vm0, $0xb8;
	[tilespmem:$0x10400] =	vst v63  }
0x102: {  	s20 =	simm.s32 $0x6C00  }
0x103: {  	[tilespmem:s20], [sflag:$0x4] =	stream.indirect_vreg.gather [hbm4b:s5+s3], $0x80, v2, vm0, $0xb8;
	[tilespmem:$0x10400] =	vst v63  }
.Ltmp3:
0x104: {  	_ = 	snop;
	(pc) =	sbr.rel .LBB2_2-.Ltmp3, $4  }
0x105: {  	s21 =	simm.s32 $0x7400  }
0x106: {  	[tilespmem:s21], [sflag:$0x4] =	stream.indirect_vreg.gather [hbm4b:s6+s3], $0x80, v2, vm0, $0xb8;
	[tilespmem:$0x10400] =	vst v63  }
0x107: {  	s22 =	simm.s32 $0x7C00;
	s16 =	sadd.s32 $0x2000, s16;
	s14 =	sadd.s32 $0x40, s14  }
0x108: {  	[tilespmem:s22], [sflag:$0x4] =	stream.indirect_vreg.gather [hbm4b:s7+s3], $0x80, v2, vm0, $0xb8;
	[tilespmem:$0x10400] =	vst v63  }
.LBB2_5:
0x109: {  	_ =	sfence.sel $0x180000  }
0x10a: {  	[bflag:$0x0] =	sbarrier.arrive $0xFFFF  }
0x10b: {  	_ =	strace $0x90000047  }
0x10c: {  	s0 =	stileid.u32;
	[bflag:$0x2] =	sbarrier.arrive $0xFFFF  }
0x10d: {  	p0 =	sne.s32 s0, $0x0;
	s0 =	rddreg [dreg:$0x3]  }
0x10e: {  	s0 =	sadd.s32 @!p0 $0x100000, s0  }
0x10f: {  	[sflag:s0] =	ssyncadd.tile.s32 @!p0 $0x1;
	_ =	shalt  }
.Lfunc_end2:
_tile_overlayer_lowered:
.L_overlay_start_2:
0x110: {  	(tag) =	ssettag $0x2  }
0x111: {  	s0 =	rddreg [dreg:$0x0];
	s2 =	stileid.u32  }
0x112: {  	s1 =	rddreg [dreg:$0x1];
	p0 =	sne.s32 s2, $0x0  }
0x113: {  	s3 =	rddreg [dreg:$0x2];
	[bflag:$0x3] =	sbarrier.arrive $0xFFFF;
	s2 =	simm.s32 @!p0 $0x1C11  }
0x114: {  	[timem:s3], [sflag:s2] =	dma.local @!p0 [hbm:s0], s1  }
0x115: {  	s0 =	simm.s32 @!p0 $0x11  }
0x116: {  	_ =	swait.ge @!p0 [sflag:s0], s1  }
0x117: {  	s1 =	ssub.s32 @!p0 $0x0, s1;
	[sflag:s0] =	ssyncset.done @!p0 $0x0  }
0x118: {  	[sflag:s0] =	ssyncadd.s32 @!p0 s1  }
0x119: {  	[bflag:$0x3] =	sbarrier.arrive $0xFFFF  }
0x11a: {  	_ =	shalt  }

</sc_bundles>
